<compile_context>
chip_gen: v7x
topology: tpu7x:2x2x1
jax: 0.10.2.dev20260603
libtpu: 0.0.44.dev20260713+nightly
codegen_flags: <defaults>
</compile_context>

<pallas_src>
import functools

import jax
import jax.numpy as jnp
from jax import lax
from jax.experimental import pallas as pl
from jax.experimental.pallas import tpu as pltpu
from jax.experimental.pallas import tpu_sc as plsc

EMB_DIM = 64
NUM_CORES = 2
NUM_SUBCORES = 16
NUM_WORKERS = NUM_CORES * NUM_SUBCORES
CHUNK = 128
NBUF = 8


@functools.partial(jax.jit, static_argnames=("n_total",))
def _emb_lookup(idx_flat, table, *, n_total):
    per_w = n_total // NUM_WORKERS
    rows_w = per_w // CHUNK
    n_groups = rows_w
    total_rows = n_total // CHUNK
    idx_2d = idx_flat.reshape(total_rows, CHUNK)
    mesh = plsc.VectorSubcoreMesh(
        core_axis_name="c", subcore_axis_name="s",
        num_cores=NUM_CORES, num_subcores=NUM_SUBCORES)

    @functools.partial(
        pl.kernel,
        mesh=mesh,
        out_type=jax.ShapeDtypeStruct((total_rows, CHUNK, EMB_DIM),
                                      jnp.float32),
        scratch_types=[
            pltpu.VMEM((rows_w, CHUNK), jnp.int32),
            pltpu.VMEM((NBUF, CHUNK, EMB_DIM), jnp.float32),
            pltpu.SemaphoreType.DMA((NBUF,)),
            pltpu.SemaphoreType.DMA((NBUF,)),
        ],
        compiler_params=pltpu.CompilerParams(use_tc_tiling_on_sc=False),
    )
    def emb_kernel(idx_hbm, table_hbm, out_hbm, idx_v, rows_v, g_sem, s_sem):
        wid = lax.axis_index("s") * NUM_CORES + lax.axis_index("c")
        base = wid * rows_w
        pltpu.sync_copy(idx_hbm.at[pl.ds(base, rows_w)], idx_v)

        def idx_group(j):
            return idx_v.at[j]

        def out_slice(j):
            return out_hbm.at[base + j]

        def gather_start(j, b):
            pltpu.async_copy(table_hbm.at[idx_group(j)], rows_v.at[b],
                             g_sem.at[b])

        def gather_wait(j, b):
            pltpu.make_async_copy(table_hbm.at[idx_group(j)], rows_v.at[b],
                                  g_sem.at[b]).wait()

        def store_start(j, b):
            pltpu.async_copy(rows_v.at[b], out_slice(j), s_sem.at[b])

        def store_wait(j, b):
            pltpu.make_async_copy(rows_v.at[b], out_slice(j),
                                  s_sem.at[b]).wait()

        for b in range(NBUF):
            gather_start(b, b)

        def body(i, carry):
            for b in range(NBUF):
                j = i * NBUF + b
                gather_wait(j, b)
                store_start(j, b)
            for b in range(NBUF):
                j = i * NBUF + b
                store_wait(j, b)
                gather_start(j + NBUF, b)
            return carry

        lax.fori_loop(0, n_groups // NBUF - 1, body, 0, unroll=False)

        for b in range(NBUF):
            j = n_groups - NBUF + b
            gather_wait(j, b)
            store_start(j, b)
        for b in range(NBUF):
            j = n_groups - NBUF + b
            store_wait(j, b)

    return emb_kernel(idx_2d, table)


def kernel(token_ids, embedding_matrix):
    b, s = token_ids.shape
    idx_flat = token_ids.reshape(-1).astype(jnp.int32)
    out = _emb_lookup(idx_flat, embedding_matrix, n_total=b * s)
    return out.reshape(b, s, EMB_DIM)

# --- scband reference (transcript-rebuilt; emitter-appended) ---
"""Pipeline reference for scband-embedding-25881472925789 (READ-ONLY COPY).

The authoritative reference and input builder live on the scoring server;
editing this copy changes nothing except your own understanding.
"""

import jax, jax.numpy as jnp
import numpy as np

NUM_EMBEDDINGS = 1000000
EMBEDDING_DIM = 64

def setup_inputs(seed: int = 0) -> dict:
    key = jax.random.key(seed)
    k_idx, k_tab = jax.random.split(key)
    token_ids = jax.random.randint(k_idx, (16384, 50), 0, NUM_EMBEDDINGS, dtype=jnp.int64 if jax.config.jax_enable_x64 else jnp.int32)
    # truncated-normal init like nn.init.trunc_normal_ (mean 0, std 1, trunc at +/-2)
    embedding_matrix = jax.random.truncated_normal(k_tab, -2.0, 2.0, (NUM_EMBEDDINGS, EMBEDDING_DIM), dtype=jnp.float32)
    return {"token_ids": token_ids, "embedding_matrix": embedding_matrix}

def reference(token_ids, embedding_matrix):
    # Faithful translation of: return self.embedding_matrix[token_ids]
    return jnp.take(embedding_matrix, token_ids, axis=0)

if __name__ == "__main__":
    import jax
    _d = setup_inputs()
    print(jax.jit(kernel)(*tuple(_d.values())))

</pallas_src>

<mosaic_0001>
#map = affine_map<(d0, d1) -> (0, 0)>
#map1 = affine_map<(d0, d1) -> (0, 0, 0)>
module attributes {stable_mosaic.version = 14 : i64} {
  func.func @emb_kernel(%arg0: i32, %arg1: i32, %arg2: memref<6400x128xi32, #tpu.memory_space<hbm>>, %arg3: memref<1000000x64xf32, #tpu.memory_space<hbm>>, %arg4: memref<6400x128x64xf32, #tpu.memory_space<hbm>>, %arg5: memref<200x128xi32, #tpu.memory_space<vmem>>, %arg6: memref<8x128x64xf32, #tpu.memory_space<vmem>>, %arg7: memref<8x!tpu.dma_semaphore, #tpu.memory_space<semaphore_mem>>, %arg8: memref<8x!tpu.dma_semaphore, #tpu.memory_space<semaphore_mem>>) attributes {dimension_semantics = [#tpu.dimension_semantics<core_parallel>, #tpu.dimension_semantics<subcore_parallel>], iteration_bounds = array<i64: 2, 16>, scalar_prefetch = 0 : i64, scratch_operands = 4 : i64, tpu.core_type = #tpu.core_type<sc_vector_subcore>, window_params = [{transform_indices = #map}, {transform_indices = #map}, {transform_indices = #map1}]} {
    %mul3A = arith.constant 2 : i32
    %mul3A_0 = arith.muli %arg1, %mul3A : i32
    %add3A = arith.addi %mul3A_0, %arg0 : i32
    %mul3A_1 = arith.constant 200 : i32
    %mul3A_2 = arith.muli %add3A, %mul3A_1 : i32
    "tpu.region"() ({
      %run_scoped3A = tpu.sem_alloc : memref<!tpu.dma_semaphore, #tpu.memory_space<semaphore_mem>>
      %dma_start3A_598 = arith.constant 0 : i32
      %dma_start3A_599 = tpu.memref_slice %arg2[%mul3A_2, %dma_start3A_598] : memref<6400x128xi32, #tpu.memory_space<hbm>> -> memref<200x128xi32, #tpu.memory_space<hbm>>
      %dma_start3A_600 = arith.constant 0 : i32
      %dma_start3A_601 = tpu.memref_slice %arg2[%mul3A_2, %dma_start3A_600] : memref<6400x128xi32, #tpu.memory_space<hbm>> -> memref<200x128xi32, #tpu.memory_space<hbm>>
      tpu.enqueue_dma source(%dma_start3A_601 : memref<200x128xi32, #tpu.memory_space<hbm>>) target(%arg5 : memref<200x128xi32, #tpu.memory_space<vmem>>) target_semaphore(%run_scoped3A : memref<!tpu.dma_semaphore, #tpu.memory_space<semaphore_mem>>)
      %dma_wait3A_602 = arith.constant 0 : i32
      %dma_wait3A_603 = tpu.memref_slice %arg2[%mul3A_2, %dma_wait3A_602] : memref<6400x128xi32, #tpu.memory_space<hbm>> -> memref<200x128xi32, #tpu.memory_space<hbm>>
      %dma_wait3A_604 = arith.constant 0 : i32
      %dma_wait3A_605 = tpu.memref_slice %arg2[%mul3A_2, %dma_wait3A_604] : memref<6400x128xi32, #tpu.memory_space<hbm>> -> memref<200x128xi32, #tpu.memory_space<hbm>>
      tpu.wait_dma2 semaphore(%run_scoped3A : memref<!tpu.dma_semaphore, #tpu.memory_space<semaphore_mem>>) src(%dma_wait3A_605 : memref<200x128xi32, #tpu.memory_space<hbm>>) dst(%arg5 : memref<200x128xi32, #tpu.memory_space<vmem>>)
      tpu.yield
    }) : () -> ()
    %dma_start3A = arith.constant 0 : i32
    %dma_start3A_3 = arith.constant 0 : i32
    %dma_start3A_4 = arith.constant 0 : i32
    %dma_start3A_5 = arith.constant 0 : i32
    %dma_start3A_6 = arith.constant 0 : i32
    %dma_start3A_7 = tpu.memref_slice %arg6[%dma_start3A_3, %dma_start3A_5, %dma_start3A_6] : memref<8x128x64xf32, #tpu.memory_space<vmem>> -> memref<1x128x64xf32, #tpu.memory_space<vmem>>
    %dma_start3A_8 = tpu.memref_squeeze %dma_start3A_7 : memref<1x128x64xf32, #tpu.memory_space<vmem>> -> memref<128x64xf32, #tpu.memory_space<vmem>>
    %dma_start3A_9 = arith.constant 0 : i32
    %dma_start3A_10 = tpu.memref_slice %arg5[%dma_start3A, %dma_start3A_9] : memref<200x128xi32, #tpu.memory_space<vmem>> -> memref<1x128xi32, #tpu.memory_space<vmem>>
    %dma_start3A_11 = tpu.memref_squeeze %dma_start3A_10 : memref<1x128xi32, #tpu.memory_space<vmem>> -> memref<128xi32, #tpu.memory_space<vmem>>
    %dma_start3A_12 = arith.constant 0 : i32
    %dma_start3A_13 = arith.constant 0 : i32
    %dma_start3A_14 = tpu.memref_slice %arg3[%dma_start3A_12, %dma_start3A_13] : memref<1000000x64xf32, #tpu.memory_space<hbm>> -> memref<1000000x64xf32, #tpu.memory_space<hbm>>
    %dma_start3A_15 = tpu.memref_slice %arg7[%dma_start3A_4] : memref<8x!tpu.dma_semaphore, #tpu.memory_space<semaphore_mem>> -> memref<1x!tpu.dma_semaphore, #tpu.memory_space<semaphore_mem>>
    %dma_start3A_16 = tpu.memref_squeeze %dma_start3A_15 : memref<1x!tpu.dma_semaphore, #tpu.memory_space<semaphore_mem>> -> memref<!tpu.dma_semaphore, #tpu.memory_space<semaphore_mem>>
    tpu.enqueue_indirect_dma source(%dma_start3A_14 : memref<1000000x64xf32, #tpu.memory_space<hbm>>) target(%dma_start3A_8 : memref<128x64xf32, #tpu.memory_space<vmem>>) offsets(%dma_start3A_11 : memref<128xi32, #tpu.memory_space<vmem>>) semaphore(%dma_start3A_16 : memref<!tpu.dma_semaphore, #tpu.memory_space<semaphore_mem>>)
    %dma_start3A_17 = arith.constant 1 : i32
    %dma_start3A_18 = arith.constant 1 : i32
    %dma_start3A_19 = arith.constant 1 : i32
    %dma_start3A_20 = arith.constant 0 : i32
    %dma_start3A_21 = arith.constant 0 : i32
    %dma_start3A_22 = tpu.memref_slice %arg6[%dma_start3A_18, %dma_start3A_20, %dma_start3A_21] : memref<8x128x64xf32, #tpu.memory_space<vmem>> -> memref<1x128x64xf32, #tpu.memory_space<vmem>>
    %dma_start3A_23 = tpu.memref_squeeze %dma_start3A_22 : memref<1x128x64xf32, #tpu.memory_space<vmem>> -> memref<128x64xf32, #tpu.memory_space<vmem>>
    %dma_start3A_24 = arith.constant 0 : i32
    %dma_start3A_25 = tpu.memref_slice %arg5[%dma_start3A_17, %dma_start3A_24] : memref<200x128xi32, #tpu.memory_space<vmem>> -> memref<1x128xi32, #tpu.memory_space<vmem>>
    %dma_start3A_26 = tpu.memref_squeeze %dma_start3A_25 : memref<1x128xi32, #tpu.memory_space<vmem>> -> memref<128xi32, #tpu.memory_space<vmem>>
    %dma_start3A_27 = arith.constant 0 : i32
    %dma_start3A_28 = arith.constant 0 : i32
    %dma_start3A_29 = tpu.memref_slice %arg3[%dma_start3A_27, %dma_start3A_28] : memref<1000000x64xf32, #tpu.memory_space<hbm>> -> memref<1000000x64xf32, #tpu.memory_space<hbm>>
    %dma_start3A_30 = tpu.memref_slice %arg7[%dma_start3A_19] : memref<8x!tpu.dma_semaphore, #tpu.memory_space<semaphore_mem>> -> memref<1x!tpu.dma_semaphore, #tpu.memory_space<semaphore_mem>>
    %dma_start3A_31 = tpu.memref_squeeze %dma_start3A_30 : memref<1x!tpu.dma_semaphore, #tpu.memory_space<semaphore_mem>> -> memref<!tpu.dma_semaphore, #tpu.memory_space<semaphore_mem>>
    tpu.enqueue_indirect_dma source(%dma_start3A_29 : memref<1000000x64xf32, #tpu.memory_space<hbm>>) target(%dma_start3A_23 : memref<128x64xf32, #tpu.memory_space<vmem>>) offsets(%dma_start3A_26 : memref<128xi32, #tpu.memory_space<vmem>>) semaphore(%dma_start3A_31 : memref<!tpu.dma_semaphore, #tpu.memory_space<semaphore_mem>>)
    %dma_start3A_32 = arith.constant 2 : i32
    %dma_start3A_33 = arith.constant 2 : i32
    %dma_start3A_34 = arith.constant 2 : i32
    %dma_start3A_35 = arith.constant 0 : i32
    %dma_start3A_36 = arith.constant 0 : i32
    %dma_start3A_37 = tpu.memref_slice %arg6[%dma_start3A_33, %dma_start3A_35, %dma_start3A_36] : memref<8x128x64xf32, #tpu.memory_space<vmem>> -> memref<1x128x64xf32, #tpu.memory_space<vmem>>
    %dma_start3A_38 = tpu.memref_squeeze %dma_start3A_37 : memref<1x128x64xf32, #tpu.memory_space<vmem>> -> memref<128x64xf32, #tpu.memory_space<vmem>>
    %dma_start3A_39 = arith.constant 0 : i32
    %dma_start3A_40 = tpu.memref_slice %arg5[%dma_start3A_32, %dma_start3A_39] : memref<200x128xi32, #tpu.memory_space<vmem>> -> memref<1x128xi32, #tpu.memory_space<vmem>>
    %dma_start3A_41 = tpu.memref_squeeze %dma_start3A_40 : memref<1x128xi32, #tpu.memory_space<vmem>> -> memref<128xi32, #tpu.memory_space<vmem>>
    %dma_start3A_42 = arith.constant 0 : i32
    %dma_start3A_43 = arith.constant 0 : i32
    %dma_start3A_44 = tpu.memref_slice %arg3[%dma_start3A_42, %dma_start3A_43] : memref<1000000x64xf32, #tpu.memory_space<hbm>> -> memref<1000000x64xf32, #tpu.memory_space<hbm>>
    %dma_start3A_45 = tpu.memref_slice %arg7[%dma_start3A_34] : memref<8x!tpu.dma_semaphore, #tpu.memory_space<semaphore_mem>> -> memref<1x!tpu.dma_semaphore, #tpu.memory_space<semaphore_mem>>
    %dma_start3A_46 = tpu.memref_squeeze %dma_start3A_45 : memref<1x!tpu.dma_semaphore, #tpu.memory_space<semaphore_mem>> -> memref<!tpu.dma_semaphore, #tpu.memory_space<semaphore_mem>>
    tpu.enqueue_indirect_dma source(%dma_start3A_44 : memref<1000000x64xf32, #tpu.memory_space<hbm>>) target(%dma_start3A_38 : memref<128x64xf32, #tpu.memory_space<vmem>>) offsets(%dma_start3A_41 : memref<128xi32, #tpu.memory_space<vmem>>) semaphore(%dma_start3A_46 : memref<!tpu.dma_semaphore, #tpu.memory_space<semaphore_mem>>)
    %dma_start3A_47 = arith.constant 3 : i32
    %dma_start3A_48 = arith.constant 3 : i32
    %dma_start3A_49 = arith.constant 3 : i32
    %dma_start3A_50 = arith.constant 0 : i32
    %dma_start3A_51 = arith.constant 0 : i32
    %dma_start3A_52 = tpu.memref_slice %arg6[%dma_start3A_48, %dma_start3A_50, %dma_start3A_51] : memref<8x128x64xf32, #tpu.memory_space<vmem>> -> memref<1x128x64xf32, #tpu.memory_space<vmem>>
    %dma_start3A_53 = tpu.memref_squeeze %dma_start3A_52 : memref<1x128x64xf32, #tpu.memory_space<vmem>> -> memref<128x64xf32, #tpu.memory_space<vmem>>
    %dma_start3A_54 = arith.constant 0 : i32
    %dma_start3A_55 = tpu.memref_slice %arg5[%dma_start3A_47, %dma_start3A_54] : memref<200x128xi32, #tpu.memory_space<vmem>> -> memref<1x128xi32, #tpu.memory_space<vmem>>
    %dma_start3A_56 = tpu.memref_squeeze %dma_start3A_55 : memref<1x128xi32, #tpu.memory_space<vmem>> -> memref<128xi32, #tpu.memory_space<vmem>>
    %dma_start3A_57 = arith.constant 0 : i32
    %dma_start3A_58 = arith.constant 0 : i32
    %dma_start3A_59 = tpu.memref_slice %arg3[%dma_start3A_57, %dma_start3A_58] : memref<1000000x64xf32, #tpu.memory_space<hbm>> -> memref<1000000x64xf32, #tpu.memory_space<hbm>>
    %dma_start3A_60 = tpu.memref_slice %arg7[%dma_start3A_49] : memref<8x!tpu.dma_semaphore, #tpu.memory_space<semaphore_mem>> -> memref<1x!tpu.dma_semaphore, #tpu.memory_space<semaphore_mem>>
    %dma_start3A_61 = tpu.memref_squeeze %dma_start3A_60 : memref<1x!tpu.dma_semaphore, #tpu.memory_space<semaphore_mem>> -> memref<!tpu.dma_semaphore, #tpu.memory_space<semaphore_mem>>
    tpu.enqueue_indirect_dma source(%dma_start3A_59 : memref<1000000x64xf32, #tpu.memory_space<hbm>>) target(%dma_start3A_53 : memref<128x64xf32, #tpu.memory_space<vmem>>) offsets(%dma_start3A_56 : memref<128xi32, #tpu.memory_space<vmem>>) semaphore(%dma_start3A_61 : memref<!tpu.dma_semaphore, #tpu.memory_space<semaphore_mem>>)
    %dma_start3A_62 = arith.constant 4 : i32
    %dma_start3A_63 = arith.constant 4 : i32
    %dma_start3A_64 = arith.constant 4 : i32
    %dma_start3A_65 = arith.constant 0 : i32
    %dma_start3A_66 = arith.constant 0 : i32
    %dma_start3A_67 = tpu.memref_slice %arg6[%dma_start3A_63, %dma_start3A_65, %dma_start3A_66] : memref<8x128x64xf32, #tpu.memory_space<vmem>> -> memref<1x128x64xf32, #tpu.memory_space<vmem>>
    %dma_start3A_68 = tpu.memref_squeeze %dma_start3A_67 : memref<1x128x64xf32, #tpu.memory_space<vmem>> -> memref<128x64xf32, #tpu.memory_space<vmem>>
    %dma_start3A_69 = arith.constant 0 : i32
    %dma_start3A_70 = tpu.memref_slice %arg5[%dma_start3A_62, %dma_start3A_69] : memref<200x128xi32, #tpu.memory_space<vmem>> -> memref<1x128xi32, #tpu.memory_space<vmem>>
    %dma_start3A_71 = tpu.memref_squeeze %dma_start3A_70 : memref<1x128xi32, #tpu.memory_space<vmem>> -> memref<128xi32, #tpu.memory_space<vmem>>
    %dma_start3A_72 = arith.constant 0 : i32
    %dma_start3A_73 = arith.constant 0 : i32
    %dma_start3A_74 = tpu.memref_slice %arg3[%dma_start3A_72, %dma_start3A_73] : memref<1000000x64xf32, #tpu.memory_space<hbm>> -> memref<1000000x64xf32, #tpu.memory_space<hbm>>
    %dma_start3A_75 = tpu.memref_slice %arg7[%dma_start3A_64] : memref<8x!tpu.dma_semaphore, #tpu.memory_space<semaphore_mem>> -> memref<1x!tpu.dma_semaphore, #tpu.memory_space<semaphore_mem>>
    %dma_start3A_76 = tpu.memref_squeeze %dma_start3A_75 : memref<1x!tpu.dma_semaphore, #tpu.memory_space<semaphore_mem>> -> memref<!tpu.dma_semaphore, #tpu.memory_space<semaphore_mem>>
    tpu.enqueue_indirect_dma source(%dma_start3A_74 : memref<1000000x64xf32, #tpu.memory_space<hbm>>) target(%dma_start3A_68 : memref<128x64xf32, #tpu.memory_space<vmem>>) offsets(%dma_start3A_71 : memref<128xi32, #tpu.memory_space<vmem>>) semaphore(%dma_start3A_76 : memref<!tpu.dma_semaphore, #tpu.memory_space<semaphore_mem>>)
    %dma_start3A_77 = arith.constant 5 : i32
    %dma_start3A_78 = arith.constant 5 : i32
    %dma_start3A_79 = arith.constant 5 : i32
    %dma_start3A_80 = arith.constant 0 : i32
    %dma_start3A_81 = arith.constant 0 : i32
    %dma_start3A_82 = tpu.memref_slice %arg6[%dma_start3A_78, %dma_start3A_80, %dma_start3A_81] : memref<8x128x64xf32, #tpu.memory_space<vmem>> -> memref<1x128x64xf32, #tpu.memory_space<vmem>>
    %dma_start3A_83 = tpu.memref_squeeze %dma_start3A_82 : memref<1x128x64xf32, #tpu.memory_space<vmem>> -> memref<128x64xf32, #tpu.memory_space<vmem>>
    %dma_start3A_84 = arith.constant 0 : i32
    %dma_start3A_85 = tpu.memref_slice %arg5[%dma_start3A_77, %dma_start3A_84] : memref<200x128xi32, #tpu.memory_space<vmem>> -> memref<1x128xi32, #tpu.memory_space<vmem>>
    %dma_start3A_86 = tpu.memref_squeeze %dma_start3A_85 : memref<1x128xi32, #tpu.memory_space<vmem>> -> memref<128xi32, #tpu.memory_space<vmem>>
    %dma_start3A_87 = arith.constant 0 : i32
    %dma_start3A_88 = arith.constant 0 : i32
    %dma_start3A_89 = tpu.memref_slice %arg3[%dma_start3A_87, %dma_start3A_88] : memref<1000000x64xf32, #tpu.memory_space<hbm>> -> memref<1000000x64xf32, #tpu.memory_space<hbm>>
    %dma_start3A_90 = tpu.memref_slice %arg7[%dma_start3A_79] : memref<8x!tpu.dma_semaphore, #tpu.memory_space<semaphore_mem>> -> memref<1x!tpu.dma_semaphore, #tpu.memory_space<semaphore_mem>>
    %dma_start3A_91 = tpu.memref_squeeze %dma_start3A_90 : memref<1x!tpu.dma_semaphore, #tpu.memory_space<semaphore_mem>> -> memref<!tpu.dma_semaphore, #tpu.memory_space<semaphore_mem>>
    tpu.enqueue_indirect_dma source(%dma_start3A_89 : memref<1000000x64xf32, #tpu.memory_space<hbm>>) target(%dma_start3A_83 : memref<128x64xf32, #tpu.memory_space<vmem>>) offsets(%dma_start3A_86 : memref<128xi32, #tpu.memory_space<vmem>>) semaphore(%dma_start3A_91 : memref<!tpu.dma_semaphore, #tpu.memory_space<semaphore_mem>>)
    %dma_start3A_92 = arith.constant 6 : i32
    %dma_start3A_93 = arith.constant 6 : i32
    %dma_start3A_94 = arith.constant 6 : i32
    %dma_start3A_95 = arith.constant 0 : i32
    %dma_start3A_96 = arith.constant 0 : i32
    %dma_start3A_97 = tpu.memref_slice %arg6[%dma_start3A_93, %dma_start3A_95, %dma_start3A_96] : memref<8x128x64xf32, #tpu.memory_space<vmem>> -> memref<1x128x64xf32, #tpu.memory_space<vmem>>
    %dma_start3A_98 = tpu.memref_squeeze %dma_start3A_97 : memref<1x128x64xf32, #tpu.memory_space<vmem>> -> memref<128x64xf32, #tpu.memory_space<vmem>>
    %dma_start3A_99 = arith.constant 0 : i32
    %dma_start3A_100 = tpu.memref_slice %arg5[%dma_start3A_92, %dma_start3A_99] : memref<200x128xi32, #tpu.memory_space<vmem>> -> memref<1x128xi32, #tpu.memory_space<vmem>>
    %dma_start3A_101 = tpu.memref_squeeze %dma_start3A_100 : memref<1x128xi32, #tpu.memory_space<vmem>> -> memref<128xi32, #tpu.memory_space<vmem>>
    %dma_start3A_102 = arith.constant 0 : i32
    %dma_start3A_103 = arith.constant 0 : i32
    %dma_start3A_104 = tpu.memref_slice %arg3[%dma_start3A_102, %dma_start3A_103] : memref<1000000x64xf32, #tpu.memory_space<hbm>> -> memref<1000000x64xf32, #tpu.memory_space<hbm>>
    %dma_start3A_105 = tpu.memref_slice %arg7[%dma_start3A_94] : memref<8x!tpu.dma_semaphore, #tpu.memory_space<semaphore_mem>> -> memref<1x!tpu.dma_semaphore, #tpu.memory_space<semaphore_mem>>
    %dma_start3A_106 = tpu.memref_squeeze %dma_start3A_105 : memref<1x!tpu.dma_semaphore, #tpu.memory_space<semaphore_mem>> -> memref<!tpu.dma_semaphore, #tpu.memory_space<semaphore_mem>>
    tpu.enqueue_indirect_dma source(%dma_start3A_104 : memref<1000000x64xf32, #tpu.memory_space<hbm>>) target(%dma_start3A_98 : memref<128x64xf32, #tpu.memory_space<vmem>>) offsets(%dma_start3A_101 : memref<128xi32, #tpu.memory_space<vmem>>) semaphore(%dma_start3A_106 : memref<!tpu.dma_semaphore, #tpu.memory_space<semaphore_mem>>)
    %dma_start3A_107 = arith.constant 7 : i32
    %dma_start3A_108 = arith.constant 7 : i32
    %dma_start3A_109 = arith.constant 7 : i32
    %dma_start3A_110 = arith.constant 0 : i32
    %dma_start3A_111 = arith.constant 0 : i32
    %dma_start3A_112 = tpu.memref_slice %arg6[%dma_start3A_108, %dma_start3A_110, %dma_start3A_111] : memref<8x128x64xf32, #tpu.memory_space<vmem>> -> memref<1x128x64xf32, #tpu.memory_space<vmem>>
    %dma_start3A_113 = tpu.memref_squeeze %dma_start3A_112 : memref<1x128x64xf32, #tpu.memory_space<vmem>> -> memref<128x64xf32, #tpu.memory_space<vmem>>
    %dma_start3A_114 = arith.constant 0 : i32
    %dma_start3A_115 = tpu.memref_slice %arg5[%dma_start3A_107, %dma_start3A_114] : memref<200x128xi32, #tpu.memory_space<vmem>> -> memref<1x128xi32, #tpu.memory_space<vmem>>
    %dma_start3A_116 = tpu.memref_squeeze %dma_start3A_115 : memref<1x128xi32, #tpu.memory_space<vmem>> -> memref<128xi32, #tpu.memory_space<vmem>>
    %dma_start3A_117 = arith.constant 0 : i32
    %dma_start3A_118 = arith.constant 0 : i32
    %dma_start3A_119 = tpu.memref_slice %arg3[%dma_start3A_117, %dma_start3A_118] : memref<1000000x64xf32, #tpu.memory_space<hbm>> -> memref<1000000x64xf32, #tpu.memory_space<hbm>>
    %dma_start3A_120 = tpu.memref_slice %arg7[%dma_start3A_109] : memref<8x!tpu.dma_semaphore, #tpu.memory_space<semaphore_mem>> -> memref<1x!tpu.dma_semaphore, #tpu.memory_space<semaphore_mem>>
    %dma_start3A_121 = tpu.memref_squeeze %dma_start3A_120 : memref<1x!tpu.dma_semaphore, #tpu.memory_space<semaphore_mem>> -> memref<!tpu.dma_semaphore, #tpu.memory_space<semaphore_mem>>
    tpu.enqueue_indirect_dma source(%dma_start3A_119 : memref<1000000x64xf32, #tpu.memory_space<hbm>>) target(%dma_start3A_113 : memref<128x64xf32, #tpu.memory_space<vmem>>) offsets(%dma_start3A_116 : memref<128xi32, #tpu.memory_space<vmem>>) semaphore(%dma_start3A_121 : memref<!tpu.dma_semaphore, #tpu.memory_space<semaphore_mem>>)
    %scan3A = arith.constant 0 : i32
    %scan3A_122 = arith.constant 0 : i32
    %scan3A_123 = arith.constant 24 : i32
    %scan3A_124 = arith.addi %scan3A_122, %scan3A_123 : i32
    %scan3A_125 = arith.constant 1 : i32
    scf.for %scan3A_598 = %scan3A_122 to %scan3A_124 step %scan3A_125  : i32 {
      %mul3A_599 = arith.constant 8 : i32
      %mul3A_600 = arith.muli %scan3A_598, %mul3A_599 : i32
      %add3A_601 = arith.constant 0 : i32
      %add3A_602 = arith.addi %mul3A_600, %add3A_601 : i32
      %dma_wait3A_603 = arith.constant 0 : i32
      %dma_wait3A_604 = arith.constant 0 : i32
      %dma_wait3A_605 = arith.constant 0 : i32
      %dma_wait3A_606 = arith.constant 0 : i32
      %dma_wait3A_607 = tpu.memref_slice %arg6[%dma_wait3A_603, %dma_wait3A_605, %dma_wait3A_606] : memref<8x128x64xf32, #tpu.memory_space<vmem>> -> memref<1x128x64xf32, #tpu.memory_space<vmem>>
      %dma_wait3A_608 = tpu.memref_squeeze %dma_wait3A_607 : memref<1x128x64xf32, #tpu.memory_space<vmem>> -> memref<128x64xf32, #tpu.memory_space<vmem>>
      %dma_wait3A_609 = arith.constant 0 : i32
      %dma_wait3A_610 = tpu.memref_slice %arg5[%add3A_602, %dma_wait3A_609] : memref<200x128xi32, #tpu.memory_space<vmem>> -> memref<1x128xi32, #tpu.memory_space<vmem>>
      %dma_wait3A_611 = tpu.memref_squeeze %dma_wait3A_610 : memref<1x128xi32, #tpu.memory_space<vmem>> -> memref<128xi32, #tpu.memory_space<vmem>>
      %dma_wait3A_612 = arith.constant 0 : i32
      %dma_wait3A_613 = arith.constant 0 : i32
      %dma_wait3A_614 = tpu.memref_slice %arg3[%dma_wait3A_612, %dma_wait3A_613] : memref<1000000x64xf32, #tpu.memory_space<hbm>> -> memref<1000000x64xf32, #tpu.memory_space<hbm>>
      %dma_wait3A_615 = tpu.memref_slice %arg7[%dma_wait3A_604] : memref<8x!tpu.dma_semaphore, #tpu.memory_space<semaphore_mem>> -> memref<1x!tpu.dma_semaphore, #tpu.memory_space<semaphore_mem>>
      %dma_wait3A_616 = tpu.memref_squeeze %dma_wait3A_615 : memref<1x!tpu.dma_semaphore, #tpu.memory_space<semaphore_mem>> -> memref<!tpu.dma_semaphore, #tpu.memory_space<semaphore_mem>>
      tpu.wait_indirect_dma semaphore(%dma_wait3A_616 : memref<!tpu.dma_semaphore, #tpu.memory_space<semaphore_mem>>) src(%dma_wait3A_614 : memref<1000000x64xf32, #tpu.memory_space<hbm>>) dst(%dma_wait3A_608 : memref<128x64xf32, #tpu.memory_space<vmem>>)
      %add3A_617 = arith.addi %mul3A_2, %add3A_602 : i32
      %dma_start3A_618 = arith.constant 0 : i32
      %dma_start3A_619 = arith.constant 0 : i32
      %dma_start3A_620 = arith.constant 0 : i32
      %dma_start3A_621 = arith.constant 0 : i32
      %dma_start3A_622 = tpu.memref_slice %arg6[%dma_start3A_618, %dma_start3A_620, %dma_start3A_621] : memref<8x128x64xf32, #tpu.memory_space<vmem>> -> memref<1x128x64xf32, #tpu.memory_space<vmem>>
      %dma_start3A_623 = tpu.memref_squeeze %dma_start3A_622 : memref<1x128x64xf32, #tpu.memory_space<vmem>> -> memref<128x64xf32, #tpu.memory_space<vmem>>
      %dma_start3A_624 = arith.constant 0 : i32
      %dma_start3A_625 = arith.constant 0 : i32
      %dma_start3A_626 = tpu.memref_slice %arg4[%add3A_617, %dma_start3A_624, %dma_start3A_625] : memref<6400x128x64xf32, #tpu.memory_space<hbm>> -> memref<1x128x64xf32, #tpu.memory_space<hbm>>
      %dma_start3A_627 = tpu.memref_squeeze %dma_start3A_626 : memref<1x128x64xf32, #tpu.memory_space<hbm>> -> memref<128x64xf32, #tpu.memory_space<hbm>>
      %dma_start3A_628 = tpu.memref_slice %arg8[%dma_start3A_619] : memref<8x!tpu.dma_semaphore, #tpu.memory_space<semaphore_mem>> -> memref<1x!tpu.dma_semaphore, #tpu.memory_space<semaphore_mem>>
      %dma_start3A_629 = tpu.memref_squeeze %dma_start3A_628 : memref<1x!tpu.dma_semaphore, #tpu.memory_space<semaphore_mem>> -> memref<!tpu.dma_semaphore, #tpu.memory_space<semaphore_mem>>
      %dma_start3A_630 = arith.constant 0 : i32
      %dma_start3A_631 = arith.constant 0 : i32
      %dma_start3A_632 = tpu.memref_slice %arg4[%add3A_617, %dma_start3A_630, %dma_start3A_631] : memref<6400x128x64xf32, #tpu.memory_space<hbm>> -> memref<1x128x64xf32, #tpu.memory_space<hbm>>
      %dma_start3A_633 = tpu.memref_squeeze %dma_start3A_632 : memref<1x128x64xf32, #tpu.memory_space<hbm>> -> memref<128x64xf32, #tpu.memory_space<hbm>>
      %dma_start3A_634 = arith.constant 0 : i32
      %dma_start3A_635 = arith.constant 0 : i32
      %dma_start3A_636 = tpu.memref_slice %arg6[%dma_start3A_618, %dma_start3A_634, %dma_start3A_635] : memref<8x128x64xf32, #tpu.memory_space<vmem>> -> memref<1x128x64xf32, #tpu.memory_space<vmem>>
      %dma_start3A_637 = tpu.memref_squeeze %dma_start3A_636 : memref<1x128x64xf32, #tpu.memory_space<vmem>> -> memref<128x64xf32, #tpu.memory_space<vmem>>
      tpu.enqueue_dma source(%dma_start3A_637 : memref<128x64xf32, #tpu.memory_space<vmem>>) target(%dma_start3A_633 : memref<128x64xf32, #tpu.memory_space<hbm>>) target_semaphore(%dma_start3A_629 : memref<!tpu.dma_semaphore, #tpu.memory_space<semaphore_mem>>)
      %mul3A_638 = arith.constant 8 : i32
      %mul3A_639 = arith.muli %scan3A_598, %mul3A_638 : i32
      %add3A_640 = arith.constant 1 : i32
      %add3A_641 = arith.addi %mul3A_639, %add3A_640 : i32
      %dma_wait3A_642 = arith.constant 1 : i32
      %dma_wait3A_643 = arith.constant 1 : i32
      %dma_wait3A_644 = arith.constant 0 : i32
      %dma_wait3A_645 = arith.constant 0 : i32
      %dma_wait3A_646 = tpu.memref_slice %arg6[%dma_wait3A_642, %dma_wait3A_644, %dma_wait3A_645] : memref<8x128x64xf32, #tpu.memory_space<vmem>> -> memref<1x128x64xf32, #tpu.memory_space<vmem>>
      %dma_wait3A_647 = tpu.memref_squeeze %dma_wait3A_646 : memref<1x128x64xf32, #tpu.memory_space<vmem>> -> memref<128x64xf32, #tpu.memory_space<vmem>>
      %dma_wait3A_648 = arith.constant 0 : i32
      %dma_wait3A_649 = tpu.memref_slice %arg5[%add3A_641, %dma_wait3A_648] : memref<200x128xi32, #tpu.memory_space<vmem>> -> memref<1x128xi32, #tpu.memory_space<vmem>>
      %dma_wait3A_650 = tpu.memref_squeeze %dma_wait3A_649 : memref<1x128xi32, #tpu.memory_space<vmem>> -> memref<128xi32, #tpu.memory_space<vmem>>
      %dma_wait3A_651 = arith.constant 0 : i32
      %dma_wait3A_652 = arith.constant 0 : i32
      %dma_wait3A_653 = tpu.memref_slice %arg3[%dma_wait3A_651, %dma_wait3A_652] : memref<1000000x64xf32, #tpu.memory_space<hbm>> -> memref<1000000x64xf32, #tpu.memory_space<hbm>>
      %dma_wait3A_654 = tpu.memref_slice %arg7[%dma_wait3A_643] : memref<8x!tpu.dma_semaphore, #tpu.memory_space<semaphore_mem>> -> memref<1x!tpu.dma_semaphore, #tpu.memory_space<semaphore_mem>>
      %dma_wait3A_655 = tpu.memref_squeeze %dma_wait3A_654 : memref<1x!tpu.dma_semaphore, #tpu.memory_space<semaphore_mem>> -> memref<!tpu.dma_semaphore, #tpu.memory_space<semaphore_mem>>
      tpu.wait_indirect_dma semaphore(%dma_wait3A_655 : memref<!tpu.dma_semaphore, #tpu.memory_space<semaphore_mem>>) src(%dma_wait3A_653 : memref<1000000x64xf32, #tpu.memory_space<hbm>>) dst(%dma_wait3A_647 : memref<128x64xf32, #tpu.memory_space<vmem>>)
      %add3A_656 = arith.addi %mul3A_2, %add3A_641 : i32
      %dma_start3A_657 = arith.constant 1 : i32
      %dma_start3A_658 = arith.constant 1 : i32
      %dma_start3A_659 = arith.constant 0 : i32
      %dma_start3A_660 = arith.constant 0 : i32
      %dma_start3A_661 = tpu.memref_slice %arg6[%dma_start3A_657, %dma_start3A_659, %dma_start3A_660] : memref<8x128x64xf32, #tpu.memory_space<vmem>> -> memref<1x128x64xf32, #tpu.memory_space<vmem>>
      %dma_start3A_662 = tpu.memref_squeeze %dma_start3A_661 : memref<1x128x64xf32, #tpu.memory_space<vmem>> -> memref<128x64xf32, #tpu.memory_space<vmem>>
      %dma_start3A_663 = arith.constant 0 : i32
      %dma_start3A_664 = arith.constant 0 : i32
      %dma_start3A_665 = tpu.memref_slice %arg4[%add3A_656, %dma_start3A_663, %dma_start3A_664] : memref<6400x128x64xf32, #tpu.memory_space<hbm>> -> memref<1x128x64xf32, #tpu.memory_space<hbm>>
      %dma_start3A_666 = tpu.memref_squeeze %dma_start3A_665 : memref<1x128x64xf32, #tpu.memory_space<hbm>> -> memref<128x64xf32, #tpu.memory_space<hbm>>
      %dma_start3A_667 = tpu.memref_slice %arg8[%dma_start3A_658] : memref<8x!tpu.dma_semaphore, #tpu.memory_space<semaphore_mem>> -> memref<1x!tpu.dma_semaphore, #tpu.memory_space<semaphore_mem>>
      %dma_start3A_668 = tpu.memref_squeeze %dma_start3A_667 : memref<1x!tpu.dma_semaphore, #tpu.memory_space<semaphore_mem>> -> memref<!tpu.dma_semaphore, #tpu.memory_space<semaphore_mem>>
      %dma_start3A_669 = arith.constant 0 : i32
      %dma_start3A_670 = arith.constant 0 : i32
      %dma_start3A_671 = tpu.memref_slice %arg4[%add3A_656, %dma_start3A_669, %dma_start3A_670] : memref<6400x128x64xf32, #tpu.memory_space<hbm>> -> memref<1x128x64xf32, #tpu.memory_space<hbm>>
      %dma_start3A_672 = tpu.memref_squeeze %dma_start3A_671 : memref<1x128x64xf32, #tpu.memory_space<hbm>> -> memref<128x64xf32, #tpu.memory_space<hbm>>
      %dma_start3A_673 = arith.constant 0 : i32
      %dma_start3A_674 = arith.constant 0 : i32
      %dma_start3A_675 = tpu.memref_slice %arg6[%dma_start3A_657, %dma_start3A_673, %dma_start3A_674] : memref<8x128x64xf32, #tpu.memory_space<vmem>> -> memref<1x128x64xf32, #tpu.memory_space<vmem>>
      %dma_start3A_676 = tpu.memref_squeeze %dma_start3A_675 : memref<1x128x64xf32, #tpu.memory_space<vmem>> -> memref<128x64xf32, #tpu.memory_space<vmem>>
      tpu.enqueue_dma source(%dma_start3A_676 : memref<128x64xf32, #tpu.memory_space<vmem>>) target(%dma_start3A_672 : memref<128x64xf32, #tpu.memory_space<hbm>>) target_semaphore(%dma_start3A_668 : memref<!tpu.dma_semaphore, #tpu.memory_space<semaphore_mem>>)
      %mul3A_677 = arith.constant 8 : i32
      %mul3A_678 = arith.muli %scan3A_598, %mul3A_677 : i32
      %add3A_679 = arith.constant 2 : i32
      %add3A_680 = arith.addi %mul3A_678, %add3A_679 : i32
      %dma_wait3A_681 = arith.constant 2 : i32
      %dma_wait3A_682 = arith.constant 2 : i32
      %dma_wait3A_683 = arith.constant 0 : i32
      %dma_wait3A_684 = arith.constant 0 : i32
      %dma_wait3A_685 = tpu.memref_slice %arg6[%dma_wait3A_681, %dma_wait3A_683, %dma_wait3A_684] : memref<8x128x64xf32, #tpu.memory_space<vmem>> -> memref<1x128x64xf32, #tpu.memory_space<vmem>>
      %dma_wait3A_686 = tpu.memref_squeeze %dma_wait3A_685 : memref<1x128x64xf32, #tpu.memory_space<vmem>> -> memref<128x64xf32, #tpu.memory_space<vmem>>
      %dma_wait3A_687 = arith.constant 0 : i32
      %dma_wait3A_688 = tpu.memref_slice %arg5[%add3A_680, %dma_wait3A_687] : memref<200x128xi32, #tpu.memory_space<vmem>> -> memref<1x128xi32, #tpu.memory_space<vmem>>
      %dma_wait3A_689 = tpu.memref_squeeze %dma_wait3A_688 : memref<1x128xi32, #tpu.memory_space<vmem>> -> memref<128xi32, #tpu.memory_space<vmem>>
      %dma_wait3A_690 = arith.constant 0 : i32
      %dma_wait3A_691 = arith.constant 0 : i32
      %dma_wait3A_692 = tpu.memref_slice %arg3[%dma_wait3A_690, %dma_wait3A_691] : memref<1000000x64xf32, #tpu.memory_space<hbm>> -> memref<1000000x64xf32, #tpu.memory_space<hbm>>
      %dma_wait3A_693 = tpu.memref_slice %arg7[%dma_wait3A_682] : memref<8x!tpu.dma_semaphore, #tpu.memory_space<semaphore_mem>> -> memref<1x!tpu.dma_semaphore, #tpu.memory_space<semaphore_mem>>
      %dma_wait3A_694 = tpu.memref_squeeze %dma_wait3A_693 : memref<1x!tpu.dma_semaphore, #tpu.memory_space<semaphore_mem>> -> memref<!tpu.dma_semaphore, #tpu.memory_space<semaphore_mem>>
      tpu.wait_indirect_dma semaphore(%dma_wait3A_694 : memref<!tpu.dma_semaphore, #tpu.memory_space<semaphore_mem>>) src(%dma_wait3A_692 : memref<1000000x64xf32, #tpu.memory_space<hbm>>) dst(%dma_wait3A_686 : memref<128x64xf32, #tpu.memory_space<vmem>>)
      %add3A_695 = arith.addi %mul3A_2, %add3A_680 : i32
      %dma_start3A_696 = arith.constant 2 : i32
      %dma_start3A_697 = arith.constant 2 : i32
      %dma_start3A_698 = arith.constant 0 : i32
      %dma_start3A_699 = arith.constant 0 : i32
      %dma_start3A_700 = tpu.memref_slice %arg6[%dma_start3A_696, %dma_start3A_698, %dma_start3A_699] : memref<8x128x64xf32, #tpu.memory_space<vmem>> -> memref<1x128x64xf32, #tpu.memory_space<vmem>>
      %dma_start3A_701 = tpu.memref_squeeze %dma_start3A_700 : memref<1x128x64xf32, #tpu.memory_space<vmem>> -> memref<128x64xf32, #tpu.memory_space<vmem>>
      %dma_start3A_702 = arith.constant 0 : i32
      %dma_start3A_703 = arith.constant 0 : i32
      %dma_start3A_704 = tpu.memref_slice %arg4[%add3A_695, %dma_start3A_702, %dma_start3A_703] : memref<6400x128x64xf32, #tpu.memory_space<hbm>> -> memref<1x128x64xf32, #tpu.memory_space<hbm>>
      %dma_start3A_705 = tpu.memref_squeeze %dma_start3A_704 : memref<1x128x64xf32, #tpu.memory_space<hbm>> -> memref<128x64xf32, #tpu.memory_space<hbm>>
      %dma_start3A_706 = tpu.memref_slice %arg8[%dma_start3A_697] : memref<8x!tpu.dma_semaphore, #tpu.memory_space<semaphore_mem>> -> memref<1x!tpu.dma_semaphore, #tpu.memory_space<semaphore_mem>>
      %dma_start3A_707 = tpu.memref_squeeze %dma_start3A_706 : memref<1x!tpu.dma_semaphore, #tpu.memory_space<semaphore_mem>> -> memref<!tpu.dma_semaphore, #tpu.memory_space<semaphore_mem>>
      %dma_start3A_708 = arith.constant 0 : i32
      %dma_start3A_709 = arith.constant 0 : i32
      %dma_start3A_710 = tpu.memref_slice %arg4[%add3A_695, %dma_start3A_708, %dma_start3A_709] : memref<6400x128x64xf32, #tpu.memory_space<hbm>> -> memref<1x128x64xf32, #tpu.memory_space<hbm>>
      %dma_start3A_711 = tpu.memref_squeeze %dma_start3A_710 : memref<1x128x64xf32, #tpu.memory_space<hbm>> -> memref<128x64xf32, #tpu.memory_space<hbm>>
      %dma_start3A_712 = arith.constant 0 : i32
      %dma_start3A_713 = arith.constant 0 : i32
      %dma_start3A_714 = tpu.memref_slice %arg6[%dma_start3A_696, %dma_start3A_712, %dma_start3A_713] : memref<8x128x64xf32, #tpu.memory_space<vmem>> -> memref<1x128x64xf32, #tpu.memory_space<vmem>>
      %dma_start3A_715 = tpu.memref_squeeze %dma_start3A_714 : memref<1x128x64xf32, #tpu.memory_space<vmem>> -> memref<128x64xf32, #tpu.memory_space<vmem>>
      tpu.enqueue_dma source(%dma_start3A_715 : memref<128x64xf32, #tpu.memory_space<vmem>>) target(%dma_start3A_711 : memref<128x64xf32, #tpu.memory_space<hbm>>) target_semaphore(%dma_start3A_707 : memref<!tpu.dma_semaphore, #tpu.memory_space<semaphore_mem>>)
      %mul3A_716 = arith.constant 8 : i32
      %mul3A_717 = arith.muli %scan3A_598, %mul3A_716 : i32
      %add3A_718 = arith.constant 3 : i32
      %add3A_719 = arith.addi %mul3A_717, %add3A_718 : i32
      %dma_wait3A_720 = arith.constant 3 : i32
      %dma_wait3A_721 = arith.constant 3 : i32
      %dma_wait3A_722 = arith.constant 0 : i32
      %dma_wait3A_723 = arith.constant 0 : i32
      %dma_wait3A_724 = tpu.memref_slice %arg6[%dma_wait3A_720, %dma_wait3A_722, %dma_wait3A_723] : memref<8x128x64xf32, #tpu.memory_space<vmem>> -> memref<1x128x64xf32, #tpu.memory_space<vmem>>
      %dma_wait3A_725 = tpu.memref_squeeze %dma_wait3A_724 : memref<1x128x64xf32, #tpu.memory_space<vmem>> -> memref<128x64xf32, #tpu.memory_space<vmem>>
      %dma_wait3A_726 = arith.constant 0 : i32
      %dma_wait3A_727 = tpu.memref_slice %arg5[%add3A_719, %dma_wait3A_726] : memref<200x128xi32, #tpu.memory_space<vmem>> -> memref<1x128xi32, #tpu.memory_space<vmem>>
      %dma_wait3A_728 = tpu.memref_squeeze %dma_wait3A_727 : memref<1x128xi32, #tpu.memory_space<vmem>> -> memref<128xi32, #tpu.memory_space<vmem>>
      %dma_wait3A_729 = arith.constant 0 : i32
      %dma_wait3A_730 = arith.constant 0 : i32
      %dma_wait3A_731 = tpu.memref_slice %arg3[%dma_wait3A_729, %dma_wait3A_730] : memref<1000000x64xf32, #tpu.memory_space<hbm>> -> memref<1000000x64xf32, #tpu.memory_space<hbm>>
      %dma_wait3A_732 = tpu.memref_slice %arg7[%dma_wait3A_721] : memref<8x!tpu.dma_semaphore, #tpu.memory_space<semaphore_mem>> -> memref<1x!tpu.dma_semaphore, #tpu.memory_space<semaphore_mem>>
      %dma_wait3A_733 = tpu.memref_squeeze %dma_wait3A_732 : memref<1x!tpu.dma_semaphore, #tpu.memory_space<semaphore_mem>> -> memref<!tpu.dma_semaphore, #tpu.memory_space<semaphore_mem>>
      tpu.wait_indirect_dma semaphore(%dma_wait3A_733 : memref<!tpu.dma_semaphore, #tpu.memory_space<semaphore_mem>>) src(%dma_wait3A_731 : memref<1000000x64xf32, #tpu.memory_space<hbm>>) dst(%dma_wait3A_725 : memref<128x64xf32, #tpu.memory_space<vmem>>)
      %add3A_734 = arith.addi %mul3A_2, %add3A_719 : i32
      %dma_start3A_735 = arith.constant 3 : i32
      %dma_start3A_736 = arith.constant 3 : i32
      %dma_start3A_737 = arith.constant 0 : i32
      %dma_start3A_738 = arith.constant 0 : i32
      %dma_start3A_739 = tpu.memref_slice %arg6[%dma_start3A_735, %dma_start3A_737, %dma_start3A_738] : memref<8x128x64xf32, #tpu.memory_space<vmem>> -> memref<1x128x64xf32, #tpu.memory_space<vmem>>
      %dma_start3A_740 = tpu.memref_squeeze %dma_start3A_739 : memref<1x128x64xf32, #tpu.memory_space<vmem>> -> memref<128x64xf32, #tpu.memory_space<vmem>>
      %dma_start3A_741 = arith.constant 0 : i32
      %dma_start3A_742 = arith.constant 0 : i32
      %dma_start3A_743 = tpu.memref_slice %arg4[%add3A_734, %dma_start3A_741, %dma_start3A_742] : memref<6400x128x64xf32, #tpu.memory_space<hbm>> -> memref<1x128x64xf32, #tpu.memory_space<hbm>>
      %dma_start3A_744 = tpu.memref_squeeze %dma_start3A_743 : memref<1x128x64xf32, #tpu.memory_space<hbm>> -> memref<128x64xf32, #tpu.memory_space<hbm>>
      %dma_start3A_745 = tpu.memref_slice %arg8[%dma_start3A_736] : memref<8x!tpu.dma_semaphore, #tpu.memory_space<semaphore_mem>> -> memref<1x!tpu.dma_semaphore, #tpu.memory_space<semaphore_mem>>
      %dma_start3A_746 = tpu.memref_squeeze %dma_start3A_745 : memref<1x!tpu.dma_semaphore, #tpu.memory_space<semaphore_mem>> -> memref<!tpu.dma_semaphore, #tpu.memory_space<semaphore_mem>>
      %dma_start3A_747 = arith.constant 0 : i32
      %dma_start3A_748 = arith.constant 0 : i32
      %dma_start3A_749 = tpu.memref_slice %arg4[%add3A_734, %dma_start3A_747, %dma_start3A_748] : memref<6400x128x64xf32, #tpu.memory_space<hbm>> -> memref<1x128x64xf32, #tpu.memory_space<hbm>>
      %dma_start3A_750 = tpu.memref_squeeze %dma_start3A_749 : memref<1x128x64xf32, #tpu.memory_space<hbm>> -> memref<128x64xf32, #tpu.memory_space<hbm>>
      %dma_start3A_751 = arith.constant 0 : i32
      %dma_start3A_752 = arith.constant 0 : i32
      %dma_start3A_753 = tpu.memref_slice %arg6[%dma_start3A_735, %dma_start3A_751, %dma_start3A_752] : memref<8x128x64xf32, #tpu.memory_space<vmem>> -> memref<1x128x64xf32, #tpu.memory_space<vmem>>
      %dma_start3A_754 = tpu.memref_squeeze %dma_start3A_753 : memref<1x128x64xf32, #tpu.memory_space<vmem>> -> memref<128x64xf32, #tpu.memory_space<vmem>>
      tpu.enqueue_dma source(%dma_start3A_754 : memref<128x64xf32, #tpu.memory_space<vmem>>) target(%dma_start3A_750 : memref<128x64xf32, #tpu.memory_space<hbm>>) target_semaphore(%dma_start3A_746 : memref<!tpu.dma_semaphore, #tpu.memory_space<semaphore_mem>>)
      %mul3A_755 = arith.constant 8 : i32
      %mul3A_756 = arith.muli %scan3A_598, %mul3A_755 : i32
      %add3A_757 = arith.constant 4 : i32
      %add3A_758 = arith.addi %mul3A_756, %add3A_757 : i32
      %dma_wait3A_759 = arith.constant 4 : i32
      %dma_wait3A_760 = arith.constant 4 : i32
      %dma_wait3A_761 = arith.constant 0 : i32
      %dma_wait3A_762 = arith.constant 0 : i32
      %dma_wait3A_763 = tpu.memref_slice %arg6[%dma_wait3A_759, %dma_wait3A_761, %dma_wait3A_762] : memref<8x128x64xf32, #tpu.memory_space<vmem>> -> memref<1x128x64xf32, #tpu.memory_space<vmem>>
      %dma_wait3A_764 = tpu.memref_squeeze %dma_wait3A_763 : memref<1x128x64xf32, #tpu.memory_space<vmem>> -> memref<128x64xf32, #tpu.memory_space<vmem>>
      %dma_wait3A_765 = arith.constant 0 : i32
      %dma_wait3A_766 = tpu.memref_slice %arg5[%add3A_758, %dma_wait3A_765] : memref<200x128xi32, #tpu.memory_space<vmem>> -> memref<1x128xi32, #tpu.memory_space<vmem>>
      %dma_wait3A_767 = tpu.memref_squeeze %dma_wait3A_766 : memref<1x128xi32, #tpu.memory_space<vmem>> -> memref<128xi32, #tpu.memory_space<vmem>>
      %dma_wait3A_768 = arith.constant 0 : i32
      %dma_wait3A_769 = arith.constant 0 : i32
      %dma_wait3A_770 = tpu.memref_slice %arg3[%dma_wait3A_768, %dma_wait3A_769] : memref<1000000x64xf32, #tpu.memory_space<hbm>> -> memref<1000000x64xf32, #tpu.memory_space<hbm>>
      %dma_wait3A_771 = tpu.memref_slice %arg7[%dma_wait3A_760] : memref<8x!tpu.dma_semaphore, #tpu.memory_space<semaphore_mem>> -> memref<1x!tpu.dma_semaphore, #tpu.memory_space<semaphore_mem>>
      %dma_wait3A_772 = tpu.memref_squeeze %dma_wait3A_771 : memref<1x!tpu.dma_semaphore, #tpu.memory_space<semaphore_mem>> -> memref<!tpu.dma_semaphore, #tpu.memory_space<semaphore_mem>>
      tpu.wait_indirect_dma semaphore(%dma_wait3A_772 : memref<!tpu.dma_semaphore, #tpu.memory_space<semaphore_mem>>) src(%dma_wait3A_770 : memref<1000000x64xf32, #tpu.memory_space<hbm>>) dst(%dma_wait3A_764 : memref<128x64xf32, #tpu.memory_space<vmem>>)
      %add3A_773 = arith.addi %mul3A_2, %add3A_758 : i32
      %dma_start3A_774 = arith.constant 4 : i32
      %dma_start3A_775 = arith.constant 4 : i32
      %dma_start3A_776 = arith.constant 0 : i32
      %dma_start3A_777 = arith.constant 0 : i32
      %dma_start3A_778 = tpu.memref_slice %arg6[%dma_start3A_774, %dma_start3A_776, %dma_start3A_777] : memref<8x128x64xf32, #tpu.memory_space<vmem>> -> memref<1x128x64xf32, #tpu.memory_space<vmem>>
      %dma_start3A_779 = tpu.memref_squeeze %dma_start3A_778 : memref<1x128x64xf32, #tpu.memory_space<vmem>> -> memref<128x64xf32, #tpu.memory_space<vmem>>
      %dma_start3A_780 = arith.constant 0 : i32
      %dma_start3A_781 = arith.constant 0 : i32
      %dma_start3A_782 = tpu.memref_slice %arg4[%add3A_773, %dma_start3A_780, %dma_start3A_781] : memref<6400x128x64xf32, #tpu.memory_space<hbm>> -> memref<1x128x64xf32, #tpu.memory_space<hbm>>
      %dma_start3A_783 = tpu.memref_squeeze %dma_start3A_782 : memref<1x128x64xf32, #tpu.memory_space<hbm>> -> memref<128x64xf32, #tpu.memory_space<hbm>>
      %dma_start3A_784 = tpu.memref_slice %arg8[%dma_start3A_775] : memref<8x!tpu.dma_semaphore, #tpu.memory_space<semaphore_mem>> -> memref<1x!tpu.dma_semaphore, #tpu.memory_space<semaphore_mem>>
      %dma_start3A_785 = tpu.memref_squeeze %dma_start3A_784 : memref<1x!tpu.dma_semaphore, #tpu.memory_space<semaphore_mem>> -> memref<!tpu.dma_semaphore, #tpu.memory_space<semaphore_mem>>
      %dma_start3A_786 = arith.constant 0 : i32
      %dma_start3A_787 = arith.constant 0 : i32
      %dma_start3A_788 = tpu.memref_slice %arg4[%add3A_773, %dma_start3A_786, %dma_start3A_787] : memref<6400x128x64xf32, #tpu.memory_space<hbm>> -> memref<1x128x64xf32, #tpu.memory_space<hbm>>
      %dma_start3A_789 = tpu.memref_squeeze %dma_start3A_788 : memref<1x128x64xf32, #tpu.memory_space<hbm>> -> memref<128x64xf32, #tpu.memory_space<hbm>>
      %dma_start3A_790 = arith.constant 0 : i32
      %dma_start3A_791 = arith.constant 0 : i32
      %dma_start3A_792 = tpu.memref_slice %arg6[%dma_start3A_774, %dma_start3A_790, %dma_start3A_791] : memref<8x128x64xf32, #tpu.memory_space<vmem>> -> memref<1x128x64xf32, #tpu.memory_space<vmem>>
      %dma_start3A_793 = tpu.memref_squeeze %dma_start3A_792 : memref<1x128x64xf32, #tpu.memory_space<vmem>> -> memref<128x64xf32, #tpu.memory_space<vmem>>
      tpu.enqueue_dma source(%dma_start3A_793 : memref<128x64xf32, #tpu.memory_space<vmem>>) target(%dma_start3A_789 : memref<128x64xf32, #tpu.memory_space<hbm>>) target_semaphore(%dma_start3A_785 : memref<!tpu.dma_semaphore, #tpu.memory_space<semaphore_mem>>)
      %mul3A_794 = arith.constant 8 : i32
      %mul3A_795 = arith.muli %scan3A_598, %mul3A_794 : i32
      %add3A_796 = arith.constant 5 : i32
      %add3A_797 = arith.addi %mul3A_795, %add3A_796 : i32
      %dma_wait3A_798 = arith.constant 5 : i32
      %dma_wait3A_799 = arith.constant 5 : i32
      %dma_wait3A_800 = arith.constant 0 : i32
      %dma_wait3A_801 = arith.constant 0 : i32
      %dma_wait3A_802 = tpu.memref_slice %arg6[%dma_wait3A_798, %dma_wait3A_800, %dma_wait3A_801] : memref<8x128x64xf32, #tpu.memory_space<vmem>> -> memref<1x128x64xf32, #tpu.memory_space<vmem>>
      %dma_wait3A_803 = tpu.memref_squeeze %dma_wait3A_802 : memref<1x128x64xf32, #tpu.memory_space<vmem>> -> memref<128x64xf32, #tpu.memory_space<vmem>>
      %dma_wait3A_804 = arith.constant 0 : i32
      %dma_wait3A_805 = tpu.memref_slice %arg5[%add3A_797, %dma_wait3A_804] : memref<200x128xi32, #tpu.memory_space<vmem>> -> memref<1x128xi32, #tpu.memory_space<vmem>>
      %dma_wait3A_806 = tpu.memref_squeeze %dma_wait3A_805 : memref<1x128xi32, #tpu.memory_space<vmem>> -> memref<128xi32, #tpu.memory_space<vmem>>
      %dma_wait3A_807 = arith.constant 0 : i32
      %dma_wait3A_808 = arith.constant 0 : i32
      %dma_wait3A_809 = tpu.memref_slice %arg3[%dma_wait3A_807, %dma_wait3A_808] : memref<1000000x64xf32, #tpu.memory_space<hbm>> -> memref<1000000x64xf32, #tpu.memory_space<hbm>>
      %dma_wait3A_810 = tpu.memref_slice %arg7[%dma_wait3A_799] : memref<8x!tpu.dma_semaphore, #tpu.memory_space<semaphore_mem>> -> memref<1x!tpu.dma_semaphore, #tpu.memory_space<semaphore_mem>>
      %dma_wait3A_811 = tpu.memref_squeeze %dma_wait3A_810 : memref<1x!tpu.dma_semaphore, #tpu.memory_space<semaphore_mem>> -> memref<!tpu.dma_semaphore, #tpu.memory_space<semaphore_mem>>
      tpu.wait_indirect_dma semaphore(%dma_wait3A_811 : memref<!tpu.dma_semaphore, #tpu.memory_space<semaphore_mem>>) src(%dma_wait3A_809 : memref<1000000x64xf32, #tpu.memory_space<hbm>>) dst(%dma_wait3A_803 : memref<128x64xf32, #tpu.memory_space<vmem>>)
      %add3A_812 = arith.addi %mul3A_2, %add3A_797 : i32
      %dma_start3A_813 = arith.constant 5 : i32
      %dma_start3A_814 = arith.constant 5 : i32
      %dma_start3A_815 = arith.constant 0 : i32
      %dma_start3A_816 = arith.constant 0 : i32
      %dma_start3A_817 = tpu.memref_slice %arg6[%dma_start3A_813, %dma_start3A_815, %dma_start3A_816] : memref<8x128x64xf32, #tpu.memory_space<vmem>> -> memref<1x128x64xf32, #tpu.memory_space<vmem>>
      %dma_start3A_818 = tpu.memref_squeeze %dma_start3A_817 : memref<1x128x64xf32, #tpu.memory_space<vmem>> -> memref<128x64xf32, #tpu.memory_space<vmem>>
      %dma_start3A_819 = arith.constant 0 : i32
      %dma_start3A_820 = arith.constant 0 : i32
      %dma_start3A_821 = tpu.memref_slice %arg4[%add3A_812, %dma_start3A_819, %dma_start3A_820] : memref<6400x128x64xf32, #tpu.memory_space<hbm>> -> memref<1x128x64xf32, #tpu.memory_space<hbm>>
      %dma_start3A_822 = tpu.memref_squeeze %dma_start3A_821 : memref<1x128x64xf32, #tpu.memory_space<hbm>> -> memref<128x64xf32, #tpu.memory_space<hbm>>
      %dma_start3A_823 = tpu.memref_slice %arg8[%dma_start3A_814] : memref<8x!tpu.dma_semaphore, #tpu.memory_space<semaphore_mem>> -> memref<1x!tpu.dma_semaphore, #tpu.memory_space<semaphore_mem>>
      %dma_start3A_824 = tpu.memref_squeeze %dma_start3A_823 : memref<1x!tpu.dma_semaphore, #tpu.memory_space<semaphore_mem>> -> memref<!tpu.dma_semaphore, #tpu.memory_space<semaphore_mem>>
      %dma_start3A_825 = arith.constant 0 : i32
      %dma_start3A_826 = arith.constant 0 : i32
      %dma_start3A_827 = tpu.memref_slice %arg4[%add3A_812, %dma_start3A_825, %dma_start3A_826] : memref<6400x128x64xf32, #tpu.memory_space<hbm>> -> memref<1x128x64xf32, #tpu.memory_space<hbm>>
      %dma_start3A_828 = tpu.memref_squeeze %dma_start3A_827 : memref<1x128x64xf32, #tpu.memory_space<hbm>> -> memref<128x64xf32, #tpu.memory_space<hbm>>
      %dma_start3A_829 = arith.constant 0 : i32
      %dma_start3A_830 = arith.constant 0 : i32
      %dma_start3A_831 = tpu.memref_slice %arg6[%dma_start3A_813, %dma_start3A_829, %dma_start3A_830] : memref<8x128x64xf32, #tpu.memory_space<vmem>> -> memref<1x128x64xf32, #tpu.memory_space<vmem>>
      %dma_start3A_832 = tpu.memref_squeeze %dma_start3A_831 : memref<1x128x64xf32, #tpu.memory_space<vmem>> -> memref<128x64xf32, #tpu.memory_space<vmem>>
      tpu.enqueue_dma source(%dma_start3A_832 : memref<128x64xf32, #tpu.memory_space<vmem>>) target(%dma_start3A_828 : memref<128x64xf32, #tpu.memory_space<hbm>>) target_semaphore(%dma_start3A_824 : memref<!tpu.dma_semaphore, #tpu.memory_space<semaphore_mem>>)
      %mul3A_833 = arith.constant 8 : i32
      %mul3A_834 = arith.muli %scan3A_598, %mul3A_833 : i32
      %add3A_835 = arith.constant 6 : i32
      %add3A_836 = arith.addi %mul3A_834, %add3A_835 : i32
      %dma_wait3A_837 = arith.constant 6 : i32
      %dma_wait3A_838 = arith.constant 6 : i32
      %dma_wait3A_839 = arith.constant 0 : i32
      %dma_wait3A_840 = arith.constant 0 : i32
      %dma_wait3A_841 = tpu.memref_slice %arg6[%dma_wait3A_837, %dma_wait3A_839, %dma_wait3A_840] : memref<8x128x64xf32, #tpu.memory_space<vmem>> -> memref<1x128x64xf32, #tpu.memory_space<vmem>>
      %dma_wait3A_842 = tpu.memref_squeeze %dma_wait3A_841 : memref<1x128x64xf32, #tpu.memory_space<vmem>> -> memref<128x64xf32, #tpu.memory_space<vmem>>
      %dma_wait3A_843 = arith.constant 0 : i32
      %dma_wait3A_844 = tpu.memref_slice %arg5[%add3A_836, %dma_wait3A_843] : memref<200x128xi32, #tpu.memory_space<vmem>> -> memref<1x128xi32, #tpu.memory_space<vmem>>
      %dma_wait3A_845 = tpu.memref_squeeze %dma_wait3A_844 : memref<1x128xi32, #tpu.memory_space<vmem>> -> memref<128xi32, #tpu.memory_space<vmem>>
      %dma_wait3A_846 = arith.constant 0 : i32
      %dma_wait3A_847 = arith.constant 0 : i32
      %dma_wait3A_848 = tpu.memref_slice %arg3[%dma_wait3A_846, %dma_wait3A_847] : memref<1000000x64xf32, #tpu.memory_space<hbm>> -> memref<1000000x64xf32, #tpu.memory_space<hbm>>
      %dma_wait3A_849 = tpu.memref_slice %arg7[%dma_wait3A_838] : memref<8x!tpu.dma_semaphore, #tpu.memory_space<semaphore_mem>> -> memref<1x!tpu.dma_semaphore, #tpu.memory_space<semaphore_mem>>
      %dma_wait3A_850 = tpu.memref_squeeze %dma_wait3A_849 : memref<1x!tpu.dma_semaphore, #tpu.memory_space<semaphore_mem>> -> memref<!tpu.dma_semaphore, #tpu.memory_space<semaphore_mem>>
      tpu.wait_indirect_dma semaphore(%dma_wait3A_850 : memref<!tpu.dma_semaphore, #tpu.memory_space<semaphore_mem>>) src(%dma_wait3A_848 : memref<1000000x64xf32, #tpu.memory_space<hbm>>) dst(%dma_wait3A_842 : memref<128x64xf32, #tpu.memory_space<vmem>>)
      %add3A_851 = arith.addi %mul3A_2, %add3A_836 : i32
      %dma_start3A_852 = arith.constant 6 : i32
      %dma_start3A_853 = arith.constant 6 : i32
      %dma_start3A_854 = arith.constant 0 : i32
      %dma_start3A_855 = arith.constant 0 : i32
      %dma_start3A_856 = tpu.memref_slice %arg6[%dma_start3A_852, %dma_start3A_854, %dma_start3A_855] : memref<8x128x64xf32, #tpu.memory_space<vmem>> -> memref<1x128x64xf32, #tpu.memory_space<vmem>>
      %dma_start3A_857 = tpu.memref_squeeze %dma_start3A_856 : memref<1x128x64xf32, #tpu.memory_space<vmem>> -> memref<128x64xf32, #tpu.memory_space<vmem>>
      %dma_start3A_858 = arith.constant 0 : i32
      %dma_start3A_859 = arith.constant 0 : i32
      %dma_start3A_860 = tpu.memref_slice %arg4[%add3A_851, %dma_start3A_858, %dma_start3A_859] : memref<6400x128x64xf32, #tpu.memory_space<hbm>> -> memref<1x128x64xf32, #tpu.memory_space<hbm>>
      %dma_start3A_861 = tpu.memref_squeeze %dma_start3A_860 : memref<1x128x64xf32, #tpu.memory_space<hbm>> -> memref<128x64xf32, #tpu.memory_space<hbm>>
      %dma_start3A_862 = tpu.memref_slice %arg8[%dma_start3A_853] : memref<8x!tpu.dma_semaphore, #tpu.memory_space<semaphore_mem>> -> memref<1x!tpu.dma_semaphore, #tpu.memory_space<semaphore_mem>>
      %dma_start3A_863 = tpu.memref_squeeze %dma_start3A_862 : memref<1x!tpu.dma_semaphore, #tpu.memory_space<semaphore_mem>> -> memref<!tpu.dma_semaphore, #tpu.memory_space<semaphore_mem>>
      %dma_start3A_864 = arith.constant 0 : i32
      %dma_start3A_865 = arith.constant 0 : i32
      %dma_start3A_866 = tpu.memref_slice %arg4[%add3A_851, %dma_start3A_864, %dma_start3A_865] : memref<6400x128x64xf32, #tpu.memory_space<hbm>> -> memref<1x128x64xf32, #tpu.memory_space<hbm>>
      %dma_start3A_867 = tpu.memref_squeeze %dma_start3A_866 : memref<1x128x64xf32, #tpu.memory_space<hbm>> -> memref<128x64xf32, #tpu.memory_space<hbm>>
      %dma_start3A_868 = arith.constant 0 : i32
      %dma_start3A_869 = arith.constant 0 : i32
      %dma_start3A_870 = tpu.memref_slice %arg6[%dma_start3A_852, %dma_start3A_868, %dma_start3A_869] : memref<8x128x64xf32, #tpu.memory_space<vmem>> -> memref<1x128x64xf32, #tpu.memory_space<vmem>>
      %dma_start3A_871 = tpu.memref_squeeze %dma_start3A_870 : memref<1x128x64xf32, #tpu.memory_space<vmem>> -> memref<128x64xf32, #tpu.memory_space<vmem>>
      tpu.enqueue_dma source(%dma_start3A_871 : memref<128x64xf32, #tpu.memory_space<vmem>>) target(%dma_start3A_867 : memref<128x64xf32, #tpu.memory_space<hbm>>) target_semaphore(%dma_start3A_863 : memref<!tpu.dma_semaphore, #tpu.memory_space<semaphore_mem>>)
      %mul3A_872 = arith.constant 8 : i32
      %mul3A_873 = arith.muli %scan3A_598, %mul3A_872 : i32
      %add3A_874 = arith.constant 7 : i32
      %add3A_875 = arith.addi %mul3A_873, %add3A_874 : i32
      %dma_wait3A_876 = arith.constant 7 : i32
      %dma_wait3A_877 = arith.constant 7 : i32
      %dma_wait3A_878 = arith.constant 0 : i32
      %dma_wait3A_879 = arith.constant 0 : i32
      %dma_wait3A_880 = tpu.memref_slice %arg6[%dma_wait3A_876, %dma_wait3A_878, %dma_wait3A_879] : memref<8x128x64xf32, #tpu.memory_space<vmem>> -> memref<1x128x64xf32, #tpu.memory_space<vmem>>
      %dma_wait3A_881 = tpu.memref_squeeze %dma_wait3A_880 : memref<1x128x64xf32, #tpu.memory_space<vmem>> -> memref<128x64xf32, #tpu.memory_space<vmem>>
      %dma_wait3A_882 = arith.constant 0 : i32
      %dma_wait3A_883 = tpu.memref_slice %arg5[%add3A_875, %dma_wait3A_882] : memref<200x128xi32, #tpu.memory_space<vmem>> -> memref<1x128xi32, #tpu.memory_space<vmem>>
      %dma_wait3A_884 = tpu.memref_squeeze %dma_wait3A_883 : memref<1x128xi32, #tpu.memory_space<vmem>> -> memref<128xi32, #tpu.memory_space<vmem>>
      %dma_wait3A_885 = arith.constant 0 : i32
      %dma_wait3A_886 = arith.constant 0 : i32
      %dma_wait3A_887 = tpu.memref_slice %arg3[%dma_wait3A_885, %dma_wait3A_886] : memref<1000000x64xf32, #tpu.memory_space<hbm>> -> memref<1000000x64xf32, #tpu.memory_space<hbm>>
      %dma_wait3A_888 = tpu.memref_slice %arg7[%dma_wait3A_877] : memref<8x!tpu.dma_semaphore, #tpu.memory_space<semaphore_mem>> -> memref<1x!tpu.dma_semaphore, #tpu.memory_space<semaphore_mem>>
      %dma_wait3A_889 = tpu.memref_squeeze %dma_wait3A_888 : memref<1x!tpu.dma_semaphore, #tpu.memory_space<semaphore_mem>> -> memref<!tpu.dma_semaphore, #tpu.memory_space<semaphore_mem>>
      tpu.wait_indirect_dma semaphore(%dma_wait3A_889 : memref<!tpu.dma_semaphore, #tpu.memory_space<semaphore_mem>>) src(%dma_wait3A_887 : memref<1000000x64xf32, #tpu.memory_space<hbm>>) dst(%dma_wait3A_881 : memref<128x64xf32, #tpu.memory_space<vmem>>)
      %add3A_890 = arith.addi %mul3A_2, %add3A_875 : i32
      %dma_start3A_891 = arith.constant 7 : i32
      %dma_start3A_892 = arith.constant 7 : i32
      %dma_start3A_893 = arith.constant 0 : i32
      %dma_start3A_894 = arith.constant 0 : i32
      %dma_start3A_895 = tpu.memref_slice %arg6[%dma_start3A_891, %dma_start3A_893, %dma_start3A_894] : memref<8x128x64xf32, #tpu.memory_space<vmem>> -> memref<1x128x64xf32, #tpu.memory_space<vmem>>
      %dma_start3A_896 = tpu.memref_squeeze %dma_start3A_895 : memref<1x128x64xf32, #tpu.memory_space<vmem>> -> memref<128x64xf32, #tpu.memory_space<vmem>>
      %dma_start3A_897 = arith.constant 0 : i32
      %dma_start3A_898 = arith.constant 0 : i32
      %dma_start3A_899 = tpu.memref_slice %arg4[%add3A_890, %dma_start3A_897, %dma_start3A_898] : memref<6400x128x64xf32, #tpu.memory_space<hbm>> -> memref<1x128x64xf32, #tpu.memory_space<hbm>>
      %dma_start3A_900 = tpu.memref_squeeze %dma_start3A_899 : memref<1x128x64xf32, #tpu.memory_space<hbm>> -> memref<128x64xf32, #tpu.memory_space<hbm>>
      %dma_start3A_901 = tpu.memref_slice %arg8[%dma_start3A_892] : memref<8x!tpu.dma_semaphore, #tpu.memory_space<semaphore_mem>> -> memref<1x!tpu.dma_semaphore, #tpu.memory_space<semaphore_mem>>
      %dma_start3A_902 = tpu.memref_squeeze %dma_start3A_901 : memref<1x!tpu.dma_semaphore, #tpu.memory_space<semaphore_mem>> -> memref<!tpu.dma_semaphore, #tpu.memory_space<semaphore_mem>>
      %dma_start3A_903 = arith.constant 0 : i32
      %dma_start3A_904 = arith.constant 0 : i32
      %dma_start3A_905 = tpu.memref_slice %arg4[%add3A_890, %dma_start3A_903, %dma_start3A_904] : memref<6400x128x64xf32, #tpu.memory_space<hbm>> -> memref<1x128x64xf32, #tpu.memory_space<hbm>>
      %dma_start3A_906 = tpu.memref_squeeze %dma_start3A_905 : memref<1x128x64xf32, #tpu.memory_space<hbm>> -> memref<128x64xf32, #tpu.memory_space<hbm>>
      %dma_start3A_907 = arith.constant 0 : i32
      %dma_start3A_908 = arith.constant 0 : i32
      %dma_start3A_909 = tpu.memref_slice %arg6[%dma_start3A_891, %dma_start3A_907, %dma_start3A_908] : memref<8x128x64xf32, #tpu.memory_space<vmem>> -> memref<1x128x64xf32, #tpu.memory_space<vmem>>
      %dma_start3A_910 = tpu.memref_squeeze %dma_start3A_909 : memref<1x128x64xf32, #tpu.memory_space<vmem>> -> memref<128x64xf32, #tpu.memory_space<vmem>>
      tpu.enqueue_dma source(%dma_start3A_910 : memref<128x64xf32, #tpu.memory_space<vmem>>) target(%dma_start3A_906 : memref<128x64xf32, #tpu.memory_space<hbm>>) target_semaphore(%dma_start3A_902 : memref<!tpu.dma_semaphore, #tpu.memory_space<semaphore_mem>>)
      %mul3A_911 = arith.constant 8 : i32
      %mul3A_912 = arith.muli %scan3A_598, %mul3A_911 : i32
      %add3A_913 = arith.constant 0 : i32
      %add3A_914 = arith.addi %mul3A_912, %add3A_913 : i32
      %add3A_915 = arith.addi %mul3A_2, %add3A_914 : i32
      %dma_wait3A_916 = arith.constant 0 : i32
      %dma_wait3A_917 = arith.constant 0 : i32
      %dma_wait3A_918 = arith.constant 0 : i32
      %dma_wait3A_919 = arith.constant 0 : i32
      %dma_wait3A_920 = tpu.memref_slice %arg6[%dma_wait3A_916, %dma_wait3A_918, %dma_wait3A_919] : memref<8x128x64xf32, #tpu.memory_space<vmem>> -> memref<1x128x64xf32, #tpu.memory_space<vmem>>
      %dma_wait3A_921 = tpu.memref_squeeze %dma_wait3A_920 : memref<1x128x64xf32, #tpu.memory_space<vmem>> -> memref<128x64xf32, #tpu.memory_space<vmem>>
      %dma_wait3A_922 = arith.constant 0 : i32
      %dma_wait3A_923 = arith.constant 0 : i32
      %dma_wait3A_924 = tpu.memref_slice %arg4[%add3A_915, %dma_wait3A_922, %dma_wait3A_923] : memref<6400x128x64xf32, #tpu.memory_space<hbm>> -> memref<1x128x64xf32, #tpu.memory_space<hbm>>
      %dma_wait3A_925 = tpu.memref_squeeze %dma_wait3A_924 : memref<1x128x64xf32, #tpu.memory_space<hbm>> -> memref<128x64xf32, #tpu.memory_space<hbm>>
      %dma_wait3A_926 = tpu.memref_slice %arg8[%dma_wait3A_917] : memref<8x!tpu.dma_semaphore, #tpu.memory_space<semaphore_mem>> -> memref<1x!tpu.dma_semaphore, #tpu.memory_space<semaphore_mem>>
      %dma_wait3A_927 = tpu.memref_squeeze %dma_wait3A_926 : memref<1x!tpu.dma_semaphore, #tpu.memory_space<semaphore_mem>> -> memref<!tpu.dma_semaphore, #tpu.memory_space<semaphore_mem>>
      %dma_wait3A_928 = arith.constant 0 : i32
      %dma_wait3A_929 = arith.constant 0 : i32
      %dma_wait3A_930 = tpu.memref_slice %arg4[%add3A_915, %dma_wait3A_928, %dma_wait3A_929] : memref<6400x128x64xf32, #tpu.memory_space<hbm>> -> memref<1x128x64xf32, #tpu.memory_space<hbm>>
      %dma_wait3A_931 = tpu.memref_squeeze %dma_wait3A_930 : memref<1x128x64xf32, #tpu.memory_space<hbm>> -> memref<128x64xf32, #tpu.memory_space<hbm>>
      %dma_wait3A_932 = arith.constant 0 : i32
      %dma_wait3A_933 = arith.constant 0 : i32
      %dma_wait3A_934 = tpu.memref_slice %arg6[%dma_wait3A_916, %dma_wait3A_932, %dma_wait3A_933] : memref<8x128x64xf32, #tpu.memory_space<vmem>> -> memref<1x128x64xf32, #tpu.memory_space<vmem>>
      %dma_wait3A_935 = tpu.memref_squeeze %dma_wait3A_934 : memref<1x128x64xf32, #tpu.memory_space<vmem>> -> memref<128x64xf32, #tpu.memory_space<vmem>>
      tpu.wait_dma2 semaphore(%dma_wait3A_927 : memref<!tpu.dma_semaphore, #tpu.memory_space<semaphore_mem>>) src(%dma_wait3A_935 : memref<128x64xf32, #tpu.memory_space<vmem>>) dst(%dma_wait3A_931 : memref<128x64xf32, #tpu.memory_space<hbm>>)
      %add3A_936 = arith.constant 8 : i32
      %add3A_937 = arith.addi %add3A_914, %add3A_936 : i32
      %dma_start3A_938 = arith.constant 0 : i32
      %dma_start3A_939 = arith.constant 0 : i32
      %dma_start3A_940 = arith.constant 0 : i32
      %dma_start3A_941 = arith.constant 0 : i32
      %dma_start3A_942 = tpu.memref_slice %arg6[%dma_start3A_938, %dma_start3A_940, %dma_start3A_941] : memref<8x128x64xf32, #tpu.memory_space<vmem>> -> memref<1x128x64xf32, #tpu.memory_space<vmem>>
      %dma_start3A_943 = tpu.memref_squeeze %dma_start3A_942 : memref<1x128x64xf32, #tpu.memory_space<vmem>> -> memref<128x64xf32, #tpu.memory_space<vmem>>
      %dma_start3A_944 = arith.constant 0 : i32
      %dma_start3A_945 = tpu.memref_slice %arg5[%add3A_937, %dma_start3A_944] : memref<200x128xi32, #tpu.memory_space<vmem>> -> memref<1x128xi32, #tpu.memory_space<vmem>>
      %dma_start3A_946 = tpu.memref_squeeze %dma_start3A_945 : memref<1x128xi32, #tpu.memory_space<vmem>> -> memref<128xi32, #tpu.memory_space<vmem>>
      %dma_start3A_947 = arith.constant 0 : i32
      %dma_start3A_948 = arith.constant 0 : i32
      %dma_start3A_949 = tpu.memref_slice %arg3[%dma_start3A_947, %dma_start3A_948] : memref<1000000x64xf32, #tpu.memory_space<hbm>> -> memref<1000000x64xf32, #tpu.memory_space<hbm>>
      %dma_start3A_950 = tpu.memref_slice %arg7[%dma_start3A_939] : memref<8x!tpu.dma_semaphore, #tpu.memory_space<semaphore_mem>> -> memref<1x!tpu.dma_semaphore, #tpu.memory_space<semaphore_mem>>
      %dma_start3A_951 = tpu.memref_squeeze %dma_start3A_950 : memref<1x!tpu.dma_semaphore, #tpu.memory_space<semaphore_mem>> -> memref<!tpu.dma_semaphore, #tpu.memory_space<semaphore_mem>>
      tpu.enqueue_indirect_dma source(%dma_start3A_949 : memref<1000000x64xf32, #tpu.memory_space<hbm>>) target(%dma_start3A_943 : memref<128x64xf32, #tpu.memory_space<vmem>>) offsets(%dma_start3A_946 : memref<128xi32, #tpu.memory_space<vmem>>) semaphore(%dma_start3A_951 : memref<!tpu.dma_semaphore, #tpu.memory_space<semaphore_mem>>)
      %mul3A_952 = arith.constant 8 : i32
      %mul3A_953 = arith.muli %scan3A_598, %mul3A_952 : i32
      %add3A_954 = arith.constant 1 : i32
      %add3A_955 = arith.addi %mul3A_953, %add3A_954 : i32
      %add3A_956 = arith.addi %mul3A_2, %add3A_955 : i32
      %dma_wait3A_957 = arith.constant 1 : i32
      %dma_wait3A_958 = arith.constant 1 : i32
      %dma_wait3A_959 = arith.constant 0 : i32
      %dma_wait3A_960 = arith.constant 0 : i32
      %dma_wait3A_961 = tpu.memref_slice %arg6[%dma_wait3A_957, %dma_wait3A_959, %dma_wait3A_960] : memref<8x128x64xf32, #tpu.memory_space<vmem>> -> memref<1x128x64xf32, #tpu.memory_space<vmem>>
      %dma_wait3A_962 = tpu.memref_squeeze %dma_wait3A_961 : memref<1x128x64xf32, #tpu.memory_space<vmem>> -> memref<128x64xf32, #tpu.memory_space<vmem>>
      %dma_wait3A_963 = arith.constant 0 : i32
      %dma_wait3A_964 = arith.constant 0 : i32
      %dma_wait3A_965 = tpu.memref_slice %arg4[%add3A_956, %dma_wait3A_963, %dma_wait3A_964] : memref<6400x128x64xf32, #tpu.memory_space<hbm>> -> memref<1x128x64xf32, #tpu.memory_space<hbm>>
      %dma_wait3A_966 = tpu.memref_squeeze %dma_wait3A_965 : memref<1x128x64xf32, #tpu.memory_space<hbm>> -> memref<128x64xf32, #tpu.memory_space<hbm>>
      %dma_wait3A_967 = tpu.memref_slice %arg8[%dma_wait3A_958] : memref<8x!tpu.dma_semaphore, #tpu.memory_space<semaphore_mem>> -> memref<1x!tpu.dma_semaphore, #tpu.memory_space<semaphore_mem>>
      %dma_wait3A_968 = tpu.memref_squeeze %dma_wait3A_967 : memref<1x!tpu.dma_semaphore, #tpu.memory_space<semaphore_mem>> -> memref<!tpu.dma_semaphore, #tpu.memory_space<semaphore_mem>>
      %dma_wait3A_969 = arith.constant 0 : i32
      %dma_wait3A_970 = arith.constant 0 : i32
      %dma_wait3A_971 = tpu.memref_slice %arg4[%add3A_956, %dma_wait3A_969, %dma_wait3A_970] : memref<6400x128x64xf32, #tpu.memory_space<hbm>> -> memref<1x128x64xf32, #tpu.memory_space<hbm>>
      %dma_wait3A_972 = tpu.memref_squeeze %dma_wait3A_971 : memref<1x128x64xf32, #tpu.memory_space<hbm>> -> memref<128x64xf32, #tpu.memory_space<hbm>>
      %dma_wait3A_973 = arith.constant 0 : i32
      %dma_wait3A_974 = arith.constant 0 : i32
      %dma_wait3A_975 = tpu.memref_slice %arg6[%dma_wait3A_957, %dma_wait3A_973, %dma_wait3A_974] : memref<8x128x64xf32, #tpu.memory_space<vmem>> -> memref<1x128x64xf32, #tpu.memory_space<vmem>>
      %dma_wait3A_976 = tpu.memref_squeeze %dma_wait3A_975 : memref<1x128x64xf32, #tpu.memory_space<vmem>> -> memref<128x64xf32, #tpu.memory_space<vmem>>
      tpu.wait_dma2 semaphore(%dma_wait3A_968 : memref<!tpu.dma_semaphore, #tpu.memory_space<semaphore_mem>>) src(%dma_wait3A_976 : memref<128x64xf32, #tpu.memory_space<vmem>>) dst(%dma_wait3A_972 : memref<128x64xf32, #tpu.memory_space<hbm>>)
      %add3A_977 = arith.constant 8 : i32
      %add3A_978 = arith.addi %add3A_955, %add3A_977 : i32
      %dma_start3A_979 = arith.constant 1 : i32
      %dma_start3A_980 = arith.constant 1 : i32
      %dma_start3A_981 = arith.constant 0 : i32
      %dma_start3A_982 = arith.constant 0 : i32
      %dma_start3A_983 = tpu.memref_slice %arg6[%dma_start3A_979, %dma_start3A_981, %dma_start3A_982] : memref<8x128x64xf32, #tpu.memory_space<vmem>> -> memref<1x128x64xf32, #tpu.memory_space<vmem>>
      %dma_start3A_984 = tpu.memref_squeeze %dma_start3A_983 : memref<1x128x64xf32, #tpu.memory_space<vmem>> -> memref<128x64xf32, #tpu.memory_space<vmem>>
      %dma_start3A_985 = arith.constant 0 : i32
      %dma_start3A_986 = tpu.memref_slice %arg5[%add3A_978, %dma_start3A_985] : memref<200x128xi32, #tpu.memory_space<vmem>> -> memref<1x128xi32, #tpu.memory_space<vmem>>
      %dma_start3A_987 = tpu.memref_squeeze %dma_start3A_986 : memref<1x128xi32, #tpu.memory_space<vmem>> -> memref<128xi32, #tpu.memory_space<vmem>>
      %dma_start3A_988 = arith.constant 0 : i32
      %dma_start3A_989 = arith.constant 0 : i32
      %dma_start3A_990 = tpu.memref_slice %arg3[%dma_start3A_988, %dma_start3A_989] : memref<1000000x64xf32, #tpu.memory_space<hbm>> -> memref<1000000x64xf32, #tpu.memory_space<hbm>>
      %dma_start3A_991 = tpu.memref_slice %arg7[%dma_start3A_980] : memref<8x!tpu.dma_semaphore, #tpu.memory_space<semaphore_mem>> -> memref<1x!tpu.dma_semaphore, #tpu.memory_space<semaphore_mem>>
      %dma_start3A_992 = tpu.memref_squeeze %dma_start3A_991 : memref<1x!tpu.dma_semaphore, #tpu.memory_space<semaphore_mem>> -> memref<!tpu.dma_semaphore, #tpu.memory_space<semaphore_mem>>
      tpu.enqueue_indirect_dma source(%dma_start3A_990 : memref<1000000x64xf32, #tpu.memory_space<hbm>>) target(%dma_start3A_984 : memref<128x64xf32, #tpu.memory_space<vmem>>) offsets(%dma_start3A_987 : memref<128xi32, #tpu.memory_space<vmem>>) semaphore(%dma_start3A_992 : memref<!tpu.dma_semaphore, #tpu.memory_space<semaphore_mem>>)
      %mul3A_993 = arith.constant 8 : i32
      %mul3A_994 = arith.muli %scan3A_598, %mul3A_993 : i32
      %add3A_995 = arith.constant 2 : i32
      %add3A_996 = arith.addi %mul3A_994, %add3A_995 : i32
      %add3A_997 = arith.addi %mul3A_2, %add3A_996 : i32
      %dma_wait3A_998 = arith.constant 2 : i32
      %dma_wait3A_999 = arith.constant 2 : i32
      %dma_wait3A_1000 = arith.constant 0 : i32
      %dma_wait3A_1001 = arith.constant 0 : i32
      %dma_wait3A_1002 = tpu.memref_slice %arg6[%dma_wait3A_998, %dma_wait3A_1000, %dma_wait3A_1001] : memref<8x128x64xf32, #tpu.memory_space<vmem>> -> memref<1x128x64xf32, #tpu.memory_space<vmem>>
      %dma_wait3A_1003 = tpu.memref_squeeze %dma_wait3A_1002 : memref<1x128x64xf32, #tpu.memory_space<vmem>> -> memref<128x64xf32, #tpu.memory_space<vmem>>
      %dma_wait3A_1004 = arith.constant 0 : i32
      %dma_wait3A_1005 = arith.constant 0 : i32
      %dma_wait3A_1006 = tpu.memref_slice %arg4[%add3A_997, %dma_wait3A_1004, %dma_wait3A_1005] : memref<6400x128x64xf32, #tpu.memory_space<hbm>> -> memref<1x128x64xf32, #tpu.memory_space<hbm>>
      %dma_wait3A_1007 = tpu.memref_squeeze %dma_wait3A_1006 : memref<1x128x64xf32, #tpu.memory_space<hbm>> -> memref<128x64xf32, #tpu.memory_space<hbm>>
      %dma_wait3A_1008 = tpu.memref_slice %arg8[%dma_wait3A_999] : memref<8x!tpu.dma_semaphore, #tpu.memory_space<semaphore_mem>> -> memref<1x!tpu.dma_semaphore, #tpu.memory_space<semaphore_mem>>
      %dma_wait3A_1009 = tpu.memref_squeeze %dma_wait3A_1008 : memref<1x!tpu.dma_semaphore, #tpu.memory_space<semaphore_mem>> -> memref<!tpu.dma_semaphore, #tpu.memory_space<semaphore_mem>>
      %dma_wait3A_1010 = arith.constant 0 : i32
      %dma_wait3A_1011 = arith.constant 0 : i32
      %dma_wait3A_1012 = tpu.memref_slice %arg4[%add3A_997, %dma_wait3A_1010, %dma_wait3A_1011] : memref<6400x128x64xf32, #tpu.memory_space<hbm>> -> memref<1x128x64xf32, #tpu.memory_space<hbm>>
      %dma_wait3A_1013 = tpu.memref_squeeze %dma_wait3A_1012 : memref<1x128x64xf32, #tpu.memory_space<hbm>> -> memref<128x64xf32, #tpu.memory_space<hbm>>
      %dma_wait3A_1014 = arith.constant 0 : i32
      %dma_wait3A_1015 = arith.constant 0 : i32
      %dma_wait3A_1016 = tpu.memref_slice %arg6[%dma_wait3A_998, %dma_wait3A_1014, %dma_wait3A_1015] : memref<8x128x64xf32, #tpu.memory_space<vmem>> -> memref<1x128x64xf32, #tpu.memory_space<vmem>>
      %dma_wait3A_1017 = tpu.memref_squeeze %dma_wait3A_1016 : memref<1x128x64xf32, #tpu.memory_space<vmem>> -> memref<128x64xf32, #tpu.memory_space<vmem>>
      tpu.wait_dma2 semaphore(%dma_wait3A_1009 : memref<!tpu.dma_semaphore, #tpu.memory_space<semaphore_mem>>) src(%dma_wait3A_1017 : memref<128x64xf32, #tpu.memory_space<vmem>>) dst(%dma_wait3A_1013 : memref<128x64xf32, #tpu.memory_space<hbm>>)
      %add3A_1018 = arith.constant 8 : i32
      %add3A_1019 = arith.addi %add3A_996, %add3A_1018 : i32
      %dma_start3A_1020 = arith.constant 2 : i32
      %dma_start3A_1021 = arith.constant 2 : i32
      %dma_start3A_1022 = arith.constant 0 : i32
      %dma_start3A_1023 = arith.constant 0 : i32
      %dma_start3A_1024 = tpu.memref_slice %arg6[%dma_start3A_1020, %dma_start3A_1022, %dma_start3A_1023] : memref<8x128x64xf32, #tpu.memory_space<vmem>> -> memref<1x128x64xf32, #tpu.memory_space<vmem>>
      %dma_start3A_1025 = tpu.memref_squeeze %dma_start3A_1024 : memref<1x128x64xf32, #tpu.memory_space<vmem>> -> memref<128x64xf32, #tpu.memory_space<vmem>>
      %dma_start3A_1026 = arith.constant 0 : i32
      %dma_start3A_1027 = tpu.memref_slice %arg5[%add3A_1019, %dma_start3A_1026] : memref<200x128xi32, #tpu.memory_space<vmem>> -> memref<1x128xi32, #tpu.memory_space<vmem>>
      %dma_start3A_1028 = tpu.memref_squeeze %dma_start3A_1027 : memref<1x128xi32, #tpu.memory_space<vmem>> -> memref<128xi32, #tpu.memory_space<vmem>>
      %dma_start3A_1029 = arith.constant 0 : i32
      %dma_start3A_1030 = arith.constant 0 : i32
      %dma_start3A_1031 = tpu.memref_slice %arg3[%dma_start3A_1029, %dma_start3A_1030] : memref<1000000x64xf32, #tpu.memory_space<hbm>> -> memref<1000000x64xf32, #tpu.memory_space<hbm>>
      %dma_start3A_1032 = tpu.memref_slice %arg7[%dma_start3A_1021] : memref<8x!tpu.dma_semaphore, #tpu.memory_space<semaphore_mem>> -> memref<1x!tpu.dma_semaphore, #tpu.memory_space<semaphore_mem>>
      %dma_start3A_1033 = tpu.memref_squeeze %dma_start3A_1032 : memref<1x!tpu.dma_semaphore, #tpu.memory_space<semaphore_mem>> -> memref<!tpu.dma_semaphore, #tpu.memory_space<semaphore_mem>>
      tpu.enqueue_indirect_dma source(%dma_start3A_1031 : memref<1000000x64xf32, #tpu.memory_space<hbm>>) target(%dma_start3A_1025 : memref<128x64xf32, #tpu.memory_space<vmem>>) offsets(%dma_start3A_1028 : memref<128xi32, #tpu.memory_space<vmem>>) semaphore(%dma_start3A_1033 : memref<!tpu.dma_semaphore, #tpu.memory_space<semaphore_mem>>)
      %mul3A_1034 = arith.constant 8 : i32
      %mul3A_1035 = arith.muli %scan3A_598, %mul3A_1034 : i32
      %add3A_1036 = arith.constant 3 : i32
      %add3A_1037 = arith.addi %mul3A_1035, %add3A_1036 : i32
      %add3A_1038 = arith.addi %mul3A_2, %add3A_1037 : i32
      %dma_wait3A_1039 = arith.constant 3 : i32
      %dma_wait3A_1040 = arith.constant 3 : i32
      %dma_wait3A_1041 = arith.constant 0 : i32
      %dma_wait3A_1042 = arith.constant 0 : i32
      %dma_wait3A_1043 = tpu.memref_slice %arg6[%dma_wait3A_1039, %dma_wait3A_1041, %dma_wait3A_1042] : memref<8x128x64xf32, #tpu.memory_space<vmem>> -> memref<1x128x64xf32, #tpu.memory_space<vmem>>
      %dma_wait3A_1044 = tpu.memref_squeeze %dma_wait3A_1043 : memref<1x128x64xf32, #tpu.memory_space<vmem>> -> memref<128x64xf32, #tpu.memory_space<vmem>>
      %dma_wait3A_1045 = arith.constant 0 : i32
      %dma_wait3A_1046 = arith.constant 0 : i32
      %dma_wait3A_1047 = tpu.memref_slice %arg4[%add3A_1038, %dma_wait3A_1045, %dma_wait3A_1046] : memref<6400x128x64xf32, #tpu.memory_space<hbm>> -> memref<1x128x64xf32, #tpu.memory_space<hbm>>
      %dma_wait3A_1048 = tpu.memref_squeeze %dma_wait3A_1047 : memref<1x128x64xf32, #tpu.memory_space<hbm>> -> memref<128x64xf32, #tpu.memory_space<hbm>>
      %dma_wait3A_1049 = tpu.memref_slice %arg8[%dma_wait3A_1040] : memref<8x!tpu.dma_semaphore, #tpu.memory_space<semaphore_mem>> -> memref<1x!tpu.dma_semaphore, #tpu.memory_space<semaphore_mem>>
      %dma_wait3A_1050 = tpu.memref_squeeze %dma_wait3A_1049 : memref<1x!tpu.dma_semaphore, #tpu.memory_space<semaphore_mem>> -> memref<!tpu.dma_semaphore, #tpu.memory_space<semaphore_mem>>
      %dma_wait3A_1051 = arith.constant 0 : i32
      %dma_wait3A_1052 = arith.constant 0 : i32
      %dma_wait3A_1053 = tpu.memref_slice %arg4[%add3A_1038, %dma_wait3A_1051, %dma_wait3A_1052] : memref<6400x128x64xf32, #tpu.memory_space<hbm>> -> memref<1x128x64xf32, #tpu.memory_space<hbm>>
      %dma_wait3A_1054 = tpu.memref_squeeze %dma_wait3A_1053 : memref<1x128x64xf32, #tpu.memory_space<hbm>> -> memref<128x64xf32, #tpu.memory_space<hbm>>
      %dma_wait3A_1055 = arith.constant 0 : i32
      %dma_wait3A_1056 = arith.constant 0 : i32
      %dma_wait3A_1057 = tpu.memref_slice %arg6[%dma_wait3A_1039, %dma_wait3A_1055, %dma_wait3A_1056] : memref<8x128x64xf32, #tpu.memory_space<vmem>> -> memref<1x128x64xf32, #tpu.memory_space<vmem>>
      %dma_wait3A_1058 = tpu.memref_squeeze %dma_wait3A_1057 : memref<1x128x64xf32, #tpu.memory_space<vmem>> -> memref<128x64xf32, #tpu.memory_space<vmem>>
      tpu.wait_dma2 semaphore(%dma_wait3A_1050 : memref<!tpu.dma_semaphore, #tpu.memory_space<semaphore_mem>>) src(%dma_wait3A_1058 : memref<128x64xf32, #tpu.memory_space<vmem>>) dst(%dma_wait3A_1054 : memref<128x64xf32, #tpu.memory_space<hbm>>)
      %add3A_1059 = arith.constant 8 : i32
      %add3A_1060 = arith.addi %add3A_1037, %add3A_1059 : i32
      %dma_start3A_1061 = arith.constant 3 : i32
      %dma_start3A_1062 = arith.constant 3 : i32
      %dma_start3A_1063 = arith.constant 0 : i32
      %dma_start3A_1064 = arith.constant 0 : i32
      %dma_start3A_1065 = tpu.memref_slice %arg6[%dma_start3A_1061, %dma_start3A_1063, %dma_start3A_1064] : memref<8x128x64xf32, #tpu.memory_space<vmem>> -> memref<1x128x64xf32, #tpu.memory_space<vmem>>
      %dma_start3A_1066 = tpu.memref_squeeze %dma_start3A_1065 : memref<1x128x64xf32, #tpu.memory_space<vmem>> -> memref<128x64xf32, #tpu.memory_space<vmem>>
      %dma_start3A_1067 = arith.constant 0 : i32
      %dma_start3A_1068 = tpu.memref_slice %arg5[%add3A_1060, %dma_start3A_1067] : memref<200x128xi32, #tpu.memory_space<vmem>> -> memref<1x128xi32, #tpu.memory_space<vmem>>
      %dma_start3A_1069 = tpu.memref_squeeze %dma_start3A_1068 : memref<1x128xi32, #tpu.memory_space<vmem>> -> memref<128xi32, #tpu.memory_space<vmem>>
      %dma_start3A_1070 = arith.constant 0 : i32
      %dma_start3A_1071 = arith.constant 0 : i32
      %dma_start3A_1072 = tpu.memref_slice %arg3[%dma_start3A_1070, %dma_start3A_1071] : memref<1000000x64xf32, #tpu.memory_space<hbm>> -> memref<1000000x64xf32, #tpu.memory_space<hbm>>
      %dma_start3A_1073 = tpu.memref_slice %arg7[%dma_start3A_1062] : memref<8x!tpu.dma_semaphore, #tpu.memory_space<semaphore_mem>> -> memref<1x!tpu.dma_semaphore, #tpu.memory_space<semaphore_mem>>
      %dma_start3A_1074 = tpu.memref_squeeze %dma_start3A_1073 : memref<1x!tpu.dma_semaphore, #tpu.memory_space<semaphore_mem>> -> memref<!tpu.dma_semaphore, #tpu.memory_space<semaphore_mem>>
      tpu.enqueue_indirect_dma source(%dma_start3A_1072 : memref<1000000x64xf32, #tpu.memory_space<hbm>>) target(%dma_start3A_1066 : memref<128x64xf32, #tpu.memory_space<vmem>>) offsets(%dma_start3A_1069 : memref<128xi32, #tpu.memory_space<vmem>>) semaphore(%dma_start3A_1074 : memref<!tpu.dma_semaphore, #tpu.memory_space<semaphore_mem>>)
      %mul3A_1075 = arith.constant 8 : i32
      %mul3A_1076 = arith.muli %scan3A_598, %mul3A_1075 : i32
      %add3A_1077 = arith.constant 4 : i32
      %add3A_1078 = arith.addi %mul3A_1076, %add3A_1077 : i32
      %add3A_1079 = arith.addi %mul3A_2, %add3A_1078 : i32
      %dma_wait3A_1080 = arith.constant 4 : i32
      %dma_wait3A_1081 = arith.constant 4 : i32
      %dma_wait3A_1082 = arith.constant 0 : i32
      %dma_wait3A_1083 = arith.constant 0 : i32
      %dma_wait3A_1084 = tpu.memref_slice %arg6[%dma_wait3A_1080, %dma_wait3A_1082, %dma_wait3A_1083] : memref<8x128x64xf32, #tpu.memory_space<vmem>> -> memref<1x128x64xf32, #tpu.memory_space<vmem>>
      %dma_wait3A_1085 = tpu.memref_squeeze %dma_wait3A_1084 : memref<1x128x64xf32, #tpu.memory_space<vmem>> -> memref<128x64xf32, #tpu.memory_space<vmem>>
      %dma_wait3A_1086 = arith.constant 0 : i32
      %dma_wait3A_1087 = arith.constant 0 : i32
      %dma_wait3A_1088 = tpu.memref_slice %arg4[%add3A_1079, %dma_wait3A_1086, %dma_wait3A_1087] : memref<6400x128x64xf32, #tpu.memory_space<hbm>> -> memref<1x128x64xf32, #tpu.memory_space<hbm>>
      %dma_wait3A_1089 = tpu.memref_squeeze %dma_wait3A_1088 : memref<1x128x64xf32, #tpu.memory_space<hbm>> -> memref<128x64xf32, #tpu.memory_space<hbm>>
      %dma_wait3A_1090 = tpu.memref_slice %arg8[%dma_wait3A_1081] : memref<8x!tpu.dma_semaphore, #tpu.memory_space<semaphore_mem>> -> memref<1x!tpu.dma_semaphore, #tpu.memory_space<semaphore_mem>>
      %dma_wait3A_1091 = tpu.memref_squeeze %dma_wait3A_1090 : memref<1x!tpu.dma_semaphore, #tpu.memory_space<semaphore_mem>> -> memref<!tpu.dma_semaphore, #tpu.memory_space<semaphore_mem>>
      %dma_wait3A_1092 = arith.constant 0 : i32
      %dma_wait3A_1093 = arith.constant 0 : i32
      %dma_wait3A_1094 = tpu.memref_slice %arg4[%add3A_1079, %dma_wait3A_1092, %dma_wait3A_1093] : memref<6400x128x64xf32, #tpu.memory_space<hbm>> -> memref<1x128x64xf32, #tpu.memory_space<hbm>>
      %dma_wait3A_1095 = tpu.memref_squeeze %dma_wait3A_1094 : memref<1x128x64xf32, #tpu.memory_space<hbm>> -> memref<128x64xf32, #tpu.memory_space<hbm>>
      %dma_wait3A_1096 = arith.constant 0 : i32
      %dma_wait3A_1097 = arith.constant 0 : i32
      %dma_wait3A_1098 = tpu.memref_slice %arg6[%dma_wait3A_1080, %dma_wait3A_1096, %dma_wait3A_1097] : memref<8x128x64xf32, #tpu.memory_space<vmem>> -> memref<1x128x64xf32, #tpu.memory_space<vmem>>
      %dma_wait3A_1099 = tpu.memref_squeeze %dma_wait3A_1098 : memref<1x128x64xf32, #tpu.memory_space<vmem>> -> memref<128x64xf32, #tpu.memory_space<vmem>>
      tpu.wait_dma2 semaphore(%dma_wait3A_1091 : memref<!tpu.dma_semaphore, #tpu.memory_space<semaphore_mem>>) src(%dma_wait3A_1099 : memref<128x64xf32, #tpu.memory_space<vmem>>) dst(%dma_wait3A_1095 : memref<128x64xf32, #tpu.memory_space<hbm>>)
      %add3A_1100 = arith.constant 8 : i32
      %add3A_1101 = arith.addi %add3A_1078, %add3A_1100 : i32
      %dma_start3A_1102 = arith.constant 4 : i32
      %dma_start3A_1103 = arith.constant 4 : i32
      %dma_start3A_1104 = arith.constant 0 : i32
      %dma_start3A_1105 = arith.constant 0 : i32
      %dma_start3A_1106 = tpu.memref_slice %arg6[%dma_start3A_1102, %dma_start3A_1104, %dma_start3A_1105] : memref<8x128x64xf32, #tpu.memory_space<vmem>> -> memref<1x128x64xf32, #tpu.memory_space<vmem>>
      %dma_start3A_1107 = tpu.memref_squeeze %dma_start3A_1106 : memref<1x128x64xf32, #tpu.memory_space<vmem>> -> memref<128x64xf32, #tpu.memory_space<vmem>>
      %dma_start3A_1108 = arith.constant 0 : i32
      %dma_start3A_1109 = tpu.memref_slice %arg5[%add3A_1101, %dma_start3A_1108] : memref<200x128xi32, #tpu.memory_space<vmem>> -> memref<1x128xi32, #tpu.memory_space<vmem>>
      %dma_start3A_1110 = tpu.memref_squeeze %dma_start3A_1109 : memref<1x128xi32, #tpu.memory_space<vmem>> -> memref<128xi32, #tpu.memory_space<vmem>>
      %dma_start3A_1111 = arith.constant 0 : i32
      %dma_start3A_1112 = arith.constant 0 : i32
      %dma_start3A_1113 = tpu.memref_slice %arg3[%dma_start3A_1111, %dma_start3A_1112] : memref<1000000x64xf32, #tpu.memory_space<hbm>> -> memref<1000000x64xf32, #tpu.memory_space<hbm>>
      %dma_start3A_1114 = tpu.memref_slice %arg7[%dma_start3A_1103] : memref<8x!tpu.dma_semaphore, #tpu.memory_space<semaphore_mem>> -> memref<1x!tpu.dma_semaphore, #tpu.memory_space<semaphore_mem>>
      %dma_start3A_1115 = tpu.memref_squeeze %dma_start3A_1114 : memref<1x!tpu.dma_semaphore, #tpu.memory_space<semaphore_mem>> -> memref<!tpu.dma_semaphore, #tpu.memory_space<semaphore_mem>>
      tpu.enqueue_indirect_dma source(%dma_start3A_1113 : memref<1000000x64xf32, #tpu.memory_space<hbm>>) target(%dma_start3A_1107 : memref<128x64xf32, #tpu.memory_space<vmem>>) offsets(%dma_start3A_1110 : memref<128xi32, #tpu.memory_space<vmem>>) semaphore(%dma_start3A_1115 : memref<!tpu.dma_semaphore, #tpu.memory_space<semaphore_mem>>)
      %mul3A_1116 = arith.constant 8 : i32
      %mul3A_1117 = arith.muli %scan3A_598, %mul3A_1116 : i32
      %add3A_1118 = arith.constant 5 : i32
      %add3A_1119 = arith.addi %mul3A_1117, %add3A_1118 : i32
      %add3A_1120 = arith.addi %mul3A_2, %add3A_1119 : i32
      %dma_wait3A_1121 = arith.constant 5 : i32
      %dma_wait3A_1122 = arith.constant 5 : i32
      %dma_wait3A_1123 = arith.constant 0 : i32
      %dma_wait3A_1124 = arith.constant 0 : i32
      %dma_wait3A_1125 = tpu.memref_slice %arg6[%dma_wait3A_1121, %dma_wait3A_1123, %dma_wait3A_1124] : memref<8x128x64xf32, #tpu.memory_space<vmem>> -> memref<1x128x64xf32, #tpu.memory_space<vmem>>
      %dma_wait3A_1126 = tpu.memref_squeeze %dma_wait3A_1125 : memref<1x128x64xf32, #tpu.memory_space<vmem>> -> memref<128x64xf32, #tpu.memory_space<vmem>>
      %dma_wait3A_1127 = arith.constant 0 : i32
      %dma_wait3A_1128 = arith.constant 0 : i32
      %dma_wait3A_1129 = tpu.memref_slice %arg4[%add3A_1120, %dma_wait3A_1127, %dma_wait3A_1128] : memref<6400x128x64xf32, #tpu.memory_space<hbm>> -> memref<1x128x64xf32, #tpu.memory_space<hbm>>
      %dma_wait3A_1130 = tpu.memref_squeeze %dma_wait3A_1129 : memref<1x128x64xf32, #tpu.memory_space<hbm>> -> memref<128x64xf32, #tpu.memory_space<hbm>>
      %dma_wait3A_1131 = tpu.memref_slice %arg8[%dma_wait3A_1122] : memref<8x!tpu.dma_semaphore, #tpu.memory_space<semaphore_mem>> -> memref<1x!tpu.dma_semaphore, #tpu.memory_space<semaphore_mem>>
      %dma_wait3A_1132 = tpu.memref_squeeze %dma_wait3A_1131 : memref<1x!tpu.dma_semaphore, #tpu.memory_space<semaphore_mem>> -> memref<!tpu.dma_semaphore, #tpu.memory_space<semaphore_mem>>
      %dma_wait3A_1133 = arith.constant 0 : i32
      %dma_wait3A_1134 = arith.constant 0 : i32
      %dma_wait3A_1135 = tpu.memref_slice %arg4[%add3A_1120, %dma_wait3A_1133, %dma_wait3A_1134] : memref<6400x128x64xf32, #tpu.memory_space<hbm>> -> memref<1x128x64xf32, #tpu.memory_space<hbm>>
      %dma_wait3A_1136 = tpu.memref_squeeze %dma_wait3A_1135 : memref<1x128x64xf32, #tpu.memory_space<hbm>> -> memref<128x64xf32, #tpu.memory_space<hbm>>
      %dma_wait3A_1137 = arith.constant 0 : i32
      %dma_wait3A_1138 = arith.constant 0 : i32
      %dma_wait3A_1139 = tpu.memref_slice %arg6[%dma_wait3A_1121, %dma_wait3A_1137, %dma_wait3A_1138] : memref<8x128x64xf32, #tpu.memory_space<vmem>> -> memref<1x128x64xf32, #tpu.memory_space<vmem>>
      %dma_wait3A_1140 = tpu.memref_squeeze %dma_wait3A_1139 : memref<1x128x64xf32, #tpu.memory_space<vmem>> -> memref<128x64xf32, #tpu.memory_space<vmem>>
      tpu.wait_dma2 semaphore(%dma_wait3A_1132 : memref<!tpu.dma_semaphore, #tpu.memory_space<semaphore_mem>>) src(%dma_wait3A_1140 : memref<128x64xf32, #tpu.memory_space<vmem>>) dst(%dma_wait3A_1136 : memref<128x64xf32, #tpu.memory_space<hbm>>)
      %add3A_1141 = arith.constant 8 : i32
      %add3A_1142 = arith.addi %add3A_1119, %add3A_1141 : i32
      %dma_start3A_1143 = arith.constant 5 : i32
      %dma_start3A_1144 = arith.constant 5 : i32
      %dma_start3A_1145 = arith.constant 0 : i32
      %dma_start3A_1146 = arith.constant 0 : i32
      %dma_start3A_1147 = tpu.memref_slice %arg6[%dma_start3A_1143, %dma_start3A_1145, %dma_start3A_1146] : memref<8x128x64xf32, #tpu.memory_space<vmem>> -> memref<1x128x64xf32, #tpu.memory_space<vmem>>
      %dma_start3A_1148 = tpu.memref_squeeze %dma_start3A_1147 : memref<1x128x64xf32, #tpu.memory_space<vmem>> -> memref<128x64xf32, #tpu.memory_space<vmem>>
      %dma_start3A_1149 = arith.constant 0 : i32
      %dma_start3A_1150 = tpu.memref_slice %arg5[%add3A_1142, %dma_start3A_1149] : memref<200x128xi32, #tpu.memory_space<vmem>> -> memref<1x128xi32, #tpu.memory_space<vmem>>
      %dma_start3A_1151 = tpu.memref_squeeze %dma_start3A_1150 : memref<1x128xi32, #tpu.memory_space<vmem>> -> memref<128xi32, #tpu.memory_space<vmem>>
      %dma_start3A_1152 = arith.constant 0 : i32
      %dma_start3A_1153 = arith.constant 0 : i32
      %dma_start3A_1154 = tpu.memref_slice %arg3[%dma_start3A_1152, %dma_start3A_1153] : memref<1000000x64xf32, #tpu.memory_space<hbm>> -> memref<1000000x64xf32, #tpu.memory_space<hbm>>
      %dma_start3A_1155 = tpu.memref_slice %arg7[%dma_start3A_1144] : memref<8x!tpu.dma_semaphore, #tpu.memory_space<semaphore_mem>> -> memref<1x!tpu.dma_semaphore, #tpu.memory_space<semaphore_mem>>
      %dma_start3A_1156 = tpu.memref_squeeze %dma_start3A_1155 : memref<1x!tpu.dma_semaphore, #tpu.memory_space<semaphore_mem>> -> memref<!tpu.dma_semaphore, #tpu.memory_space<semaphore_mem>>
      tpu.enqueue_indirect_dma source(%dma_start3A_1154 : memref<1000000x64xf32, #tpu.memory_space<hbm>>) target(%dma_start3A_1148 : memref<128x64xf32, #tpu.memory_space<vmem>>) offsets(%dma_start3A_1151 : memref<128xi32, #tpu.memory_space<vmem>>) semaphore(%dma_start3A_1156 : memref<!tpu.dma_semaphore, #tpu.memory_space<semaphore_mem>>)
      %mul3A_1157 = arith.constant 8 : i32
      %mul3A_1158 = arith.muli %scan3A_598, %mul3A_1157 : i32
      %add3A_1159 = arith.constant 6 : i32
      %add3A_1160 = arith.addi %mul3A_1158, %add3A_1159 : i32
      %add3A_1161 = arith.addi %mul3A_2, %add3A_1160 : i32
      %dma_wait3A_1162 = arith.constant 6 : i32
      %dma_wait3A_1163 = arith.constant 6 : i32
      %dma_wait3A_1164 = arith.constant 0 : i32
      %dma_wait3A_1165 = arith.constant 0 : i32
      %dma_wait3A_1166 = tpu.memref_slice %arg6[%dma_wait3A_1162, %dma_wait3A_1164, %dma_wait3A_1165] : memref<8x128x64xf32, #tpu.memory_space<vmem>> -> memref<1x128x64xf32, #tpu.memory_space<vmem>>
      %dma_wait3A_1167 = tpu.memref_squeeze %dma_wait3A_1166 : memref<1x128x64xf32, #tpu.memory_space<vmem>> -> memref<128x64xf32, #tpu.memory_space<vmem>>
      %dma_wait3A_1168 = arith.constant 0 : i32
      %dma_wait3A_1169 = arith.constant 0 : i32
      %dma_wait3A_1170 = tpu.memref_slice %arg4[%add3A_1161, %dma_wait3A_1168, %dma_wait3A_1169] : memref<6400x128x64xf32, #tpu.memory_space<hbm>> -> memref<1x128x64xf32, #tpu.memory_space<hbm>>
      %dma_wait3A_1171 = tpu.memref_squeeze %dma_wait3A_1170 : memref<1x128x64xf32, #tpu.memory_space<hbm>> -> memref<128x64xf32, #tpu.memory_space<hbm>>
      %dma_wait3A_1172 = tpu.memref_slice %arg8[%dma_wait3A_1163] : memref<8x!tpu.dma_semaphore, #tpu.memory_space<semaphore_mem>> -> memref<1x!tpu.dma_semaphore, #tpu.memory_space<semaphore_mem>>
      %dma_wait3A_1173 = tpu.memref_squeeze %dma_wait3A_1172 : memref<1x!tpu.dma_semaphore, #tpu.memory_space<semaphore_mem>> -> memref<!tpu.dma_semaphore, #tpu.memory_space<semaphore_mem>>
      %dma_wait3A_1174 = arith.constant 0 : i32
      %dma_wait3A_1175 = arith.constant 0 : i32
      %dma_wait3A_1176 = tpu.memref_slice %arg4[%add3A_1161, %dma_wait3A_1174, %dma_wait3A_1175] : memref<6400x128x64xf32, #tpu.memory_space<hbm>> -> memref<1x128x64xf32, #tpu.memory_space<hbm>>
      %dma_wait3A_1177 = tpu.memref_squeeze %dma_wait3A_1176 : memref<1x128x64xf32, #tpu.memory_space<hbm>> -> memref<128x64xf32, #tpu.memory_space<hbm>>
      %dma_wait3A_1178 = arith.constant 0 : i32
      %dma_wait3A_1179 = arith.constant 0 : i32
      %dma_wait3A_1180 = tpu.memref_slice %arg6[%dma_wait3A_1162, %dma_wait3A_1178, %dma_wait3A_1179] : memref<8x128x64xf32, #tpu.memory_space<vmem>> -> memref<1x128x64xf32, #tpu.memory_space<vmem>>
      %dma_wait3A_1181 = tpu.memref_squeeze %dma_wait3A_1180 : memref<1x128x64xf32, #tpu.memory_space<vmem>> -> memref<128x64xf32, #tpu.memory_space<vmem>>
      tpu.wait_dma2 semaphore(%dma_wait3A_1173 : memref<!tpu.dma_semaphore, #tpu.memory_space<semaphore_mem>>) src(%dma_wait3A_1181 : memref<128x64xf32, #tpu.memory_space<vmem>>) dst(%dma_wait3A_1177 : memref<128x64xf32, #tpu.memory_space<hbm>>)
      %add3A_1182 = arith.constant 8 : i32
      %add3A_1183 = arith.addi %add3A_1160, %add3A_1182 : i32
      %dma_start3A_1184 = arith.constant 6 : i32
      %dma_start3A_1185 = arith.constant 6 : i32
      %dma_start3A_1186 = arith.constant 0 : i32
      %dma_start3A_1187 = arith.constant 0 : i32
      %dma_start3A_1188 = tpu.memref_slice %arg6[%dma_start3A_1184, %dma_start3A_1186, %dma_start3A_1187] : memref<8x128x64xf32, #tpu.memory_space<vmem>> -> memref<1x128x64xf32, #tpu.memory_space<vmem>>
      %dma_start3A_1189 = tpu.memref_squeeze %dma_start3A_1188 : memref<1x128x64xf32, #tpu.memory_space<vmem>> -> memref<128x64xf32, #tpu.memory_space<vmem>>
      %dma_start3A_1190 = arith.constant 0 : i32
      %dma_start3A_1191 = tpu.memref_slice %arg5[%add3A_1183, %dma_start3A_1190] : memref<200x128xi32, #tpu.memory_space<vmem>> -> memref<1x128xi32, #tpu.memory_space<vmem>>
      %dma_start3A_1192 = tpu.memref_squeeze %dma_start3A_1191 : memref<1x128xi32, #tpu.memory_space<vmem>> -> memref<128xi32, #tpu.memory_space<vmem>>
      %dma_start3A_1193 = arith.constant 0 : i32
      %dma_start3A_1194 = arith.constant 0 : i32
      %dma_start3A_1195 = tpu.memref_slice %arg3[%dma_start3A_1193, %dma_start3A_1194] : memref<1000000x64xf32, #tpu.memory_space<hbm>> -> memref<1000000x64xf32, #tpu.memory_space<hbm>>
      %dma_start3A_1196 = tpu.memref_slice %arg7[%dma_start3A_1185] : memref<8x!tpu.dma_semaphore, #tpu.memory_space<semaphore_mem>> -> memref<1x!tpu.dma_semaphore, #tpu.memory_space<semaphore_mem>>
      %dma_start3A_1197 = tpu.memref_squeeze %dma_start3A_1196 : memref<1x!tpu.dma_semaphore, #tpu.memory_space<semaphore_mem>> -> memref<!tpu.dma_semaphore, #tpu.memory_space<semaphore_mem>>
      tpu.enqueue_indirect_dma source(%dma_start3A_1195 : memref<1000000x64xf32, #tpu.memory_space<hbm>>) target(%dma_start3A_1189 : memref<128x64xf32, #tpu.memory_space<vmem>>) offsets(%dma_start3A_1192 : memref<128xi32, #tpu.memory_space<vmem>>) semaphore(%dma_start3A_1197 : memref<!tpu.dma_semaphore, #tpu.memory_space<semaphore_mem>>)
      %mul3A_1198 = arith.constant 8 : i32
      %mul3A_1199 = arith.muli %scan3A_598, %mul3A_1198 : i32
      %add3A_1200 = arith.constant 7 : i32
      %add3A_1201 = arith.addi %mul3A_1199, %add3A_1200 : i32
      %add3A_1202 = arith.addi %mul3A_2, %add3A_1201 : i32
      %dma_wait3A_1203 = arith.constant 7 : i32
      %dma_wait3A_1204 = arith.constant 7 : i32
      %dma_wait3A_1205 = arith.constant 0 : i32
      %dma_wait3A_1206 = arith.constant 0 : i32
      %dma_wait3A_1207 = tpu.memref_slice %arg6[%dma_wait3A_1203, %dma_wait3A_1205, %dma_wait3A_1206] : memref<8x128x64xf32, #tpu.memory_space<vmem>> -> memref<1x128x64xf32, #tpu.memory_space<vmem>>
      %dma_wait3A_1208 = tpu.memref_squeeze %dma_wait3A_1207 : memref<1x128x64xf32, #tpu.memory_space<vmem>> -> memref<128x64xf32, #tpu.memory_space<vmem>>
      %dma_wait3A_1209 = arith.constant 0 : i32
      %dma_wait3A_1210 = arith.constant 0 : i32
      %dma_wait3A_1211 = tpu.memref_slice %arg4[%add3A_1202, %dma_wait3A_1209, %dma_wait3A_1210] : memref<6400x128x64xf32, #tpu.memory_space<hbm>> -> memref<1x128x64xf32, #tpu.memory_space<hbm>>
      %dma_wait3A_1212 = tpu.memref_squeeze %dma_wait3A_1211 : memref<1x128x64xf32, #tpu.memory_space<hbm>> -> memref<128x64xf32, #tpu.memory_space<hbm>>
      %dma_wait3A_1213 = tpu.memref_slice %arg8[%dma_wait3A_1204] : memref<8x!tpu.dma_semaphore, #tpu.memory_space<semaphore_mem>> -> memref<1x!tpu.dma_semaphore, #tpu.memory_space<semaphore_mem>>
      %dma_wait3A_1214 = tpu.memref_squeeze %dma_wait3A_1213 : memref<1x!tpu.dma_semaphore, #tpu.memory_space<semaphore_mem>> -> memref<!tpu.dma_semaphore, #tpu.memory_space<semaphore_mem>>
      %dma_wait3A_1215 = arith.constant 0 : i32
      %dma_wait3A_1216 = arith.constant 0 : i32
      %dma_wait3A_1217 = tpu.memref_slice %arg4[%add3A_1202, %dma_wait3A_1215, %dma_wait3A_1216] : memref<6400x128x64xf32, #tpu.memory_space<hbm>> -> memref<1x128x64xf32, #tpu.memory_space<hbm>>
      %dma_wait3A_1218 = tpu.memref_squeeze %dma_wait3A_1217 : memref<1x128x64xf32, #tpu.memory_space<hbm>> -> memref<128x64xf32, #tpu.memory_space<hbm>>
      %dma_wait3A_1219 = arith.constant 0 : i32
      %dma_wait3A_1220 = arith.constant 0 : i32
      %dma_wait3A_1221 = tpu.memref_slice %arg6[%dma_wait3A_1203, %dma_wait3A_1219, %dma_wait3A_1220] : memref<8x128x64xf32, #tpu.memory_space<vmem>> -> memref<1x128x64xf32, #tpu.memory_space<vmem>>
      %dma_wait3A_1222 = tpu.memref_squeeze %dma_wait3A_1221 : memref<1x128x64xf32, #tpu.memory_space<vmem>> -> memref<128x64xf32, #tpu.memory_space<vmem>>
      tpu.wait_dma2 semaphore(%dma_wait3A_1214 : memref<!tpu.dma_semaphore, #tpu.memory_space<semaphore_mem>>) src(%dma_wait3A_1222 : memref<128x64xf32, #tpu.memory_space<vmem>>) dst(%dma_wait3A_1218 : memref<128x64xf32, #tpu.memory_space<hbm>>)
      %add3A_1223 = arith.constant 8 : i32
      %add3A_1224 = arith.addi %add3A_1201, %add3A_1223 : i32
      %dma_start3A_1225 = arith.constant 7 : i32
      %dma_start3A_1226 = arith.constant 7 : i32
      %dma_start3A_1227 = arith.constant 0 : i32
      %dma_start3A_1228 = arith.constant 0 : i32
      %dma_start3A_1229 = tpu.memref_slice %arg6[%dma_start3A_1225, %dma_start3A_1227, %dma_start3A_1228] : memref<8x128x64xf32, #tpu.memory_space<vmem>> -> memref<1x128x64xf32, #tpu.memory_space<vmem>>
      %dma_start3A_1230 = tpu.memref_squeeze %dma_start3A_1229 : memref<1x128x64xf32, #tpu.memory_space<vmem>> -> memref<128x64xf32, #tpu.memory_space<vmem>>
      %dma_start3A_1231 = arith.constant 0 : i32
      %dma_start3A_1232 = tpu.memref_slice %arg5[%add3A_1224, %dma_start3A_1231] : memref<200x128xi32, #tpu.memory_space<vmem>> -> memref<1x128xi32, #tpu.memory_space<vmem>>
      %dma_start3A_1233 = tpu.memref_squeeze %dma_start3A_1232 : memref<1x128xi32, #tpu.memory_space<vmem>> -> memref<128xi32, #tpu.memory_space<vmem>>
      %dma_start3A_1234 = arith.constant 0 : i32
      %dma_start3A_1235 = arith.constant 0 : i32
      %dma_start3A_1236 = tpu.memref_slice %arg3[%dma_start3A_1234, %dma_start3A_1235] : memref<1000000x64xf32, #tpu.memory_space<hbm>> -> memref<1000000x64xf32, #tpu.memory_space<hbm>>
      %dma_start3A_1237 = tpu.memref_slice %arg7[%dma_start3A_1226] : memref<8x!tpu.dma_semaphore, #tpu.memory_space<semaphore_mem>> -> memref<1x!tpu.dma_semaphore, #tpu.memory_space<semaphore_mem>>
      %dma_start3A_1238 = tpu.memref_squeeze %dma_start3A_1237 : memref<1x!tpu.dma_semaphore, #tpu.memory_space<semaphore_mem>> -> memref<!tpu.dma_semaphore, #tpu.memory_space<semaphore_mem>>
      tpu.enqueue_indirect_dma source(%dma_start3A_1236 : memref<1000000x64xf32, #tpu.memory_space<hbm>>) target(%dma_start3A_1230 : memref<128x64xf32, #tpu.memory_space<vmem>>) offsets(%dma_start3A_1233 : memref<128xi32, #tpu.memory_space<vmem>>) semaphore(%dma_start3A_1238 : memref<!tpu.dma_semaphore, #tpu.memory_space<semaphore_mem>>)
    }
    %scan3A_126 = arith.constant 24 : i32
    %dma_wait3A = arith.constant 192 : i32
    %dma_wait3A_127 = arith.constant 0 : i32
    %dma_wait3A_128 = arith.constant 0 : i32
    %dma_wait3A_129 = arith.constant 0 : i32
    %dma_wait3A_130 = arith.constant 0 : i32
    %dma_wait3A_131 = tpu.memref_slice %arg6[%dma_wait3A_127, %dma_wait3A_129, %dma_wait3A_130] : memref<8x128x64xf32, #tpu.memory_space<vmem>> -> memref<1x128x64xf32, #tpu.memory_space<vmem>>
    %dma_wait3A_132 = tpu.memref_squeeze %dma_wait3A_131 : memref<1x128x64xf32, #tpu.memory_space<vmem>> -> memref<128x64xf32, #tpu.memory_space<vmem>>
    %dma_wait3A_133 = arith.constant 0 : i32
    %dma_wait3A_134 = tpu.memref_slice %arg5[%dma_wait3A, %dma_wait3A_133] : memref<200x128xi32, #tpu.memory_space<vmem>> -> memref<1x128xi32, #tpu.memory_space<vmem>>
    %dma_wait3A_135 = tpu.memref_squeeze %dma_wait3A_134 : memref<1x128xi32, #tpu.memory_space<vmem>> -> memref<128xi32, #tpu.memory_space<vmem>>
    %dma_wait3A_136 = arith.constant 0 : i32
    %dma_wait3A_137 = arith.constant 0 : i32
    %dma_wait3A_138 = tpu.memref_slice %arg3[%dma_wait3A_136, %dma_wait3A_137] : memref<1000000x64xf32, #tpu.memory_space<hbm>> -> memref<1000000x64xf32, #tpu.memory_space<hbm>>
    %dma_wait3A_139 = tpu.memref_slice %arg7[%dma_wait3A_128] : memref<8x!tpu.dma_semaphore, #tpu.memory_space<semaphore_mem>> -> memref<1x!tpu.dma_semaphore, #tpu.memory_space<semaphore_mem>>
    %dma_wait3A_140 = tpu.memref_squeeze %dma_wait3A_139 : memref<1x!tpu.dma_semaphore, #tpu.memory_space<semaphore_mem>> -> memref<!tpu.dma_semaphore, #tpu.memory_space<semaphore_mem>>
    tpu.wait_indirect_dma semaphore(%dma_wait3A_140 : memref<!tpu.dma_semaphore, #tpu.memory_space<semaphore_mem>>) src(%dma_wait3A_138 : memref<1000000x64xf32, #tpu.memory_space<hbm>>) dst(%dma_wait3A_132 : memref<128x64xf32, #tpu.memory_space<vmem>>)
    %add3A_141 = arith.constant 192 : i32
    %add3A_142 = arith.addi %mul3A_2, %add3A_141 : i32
    %dma_start3A_143 = arith.constant 0 : i32
    %dma_start3A_144 = arith.constant 0 : i32
    %dma_start3A_145 = arith.constant 0 : i32
    %dma_start3A_146 = arith.constant 0 : i32
    %dma_start3A_147 = tpu.memref_slice %arg6[%dma_start3A_143, %dma_start3A_145, %dma_start3A_146] : memref<8x128x64xf32, #tpu.memory_space<vmem>> -> memref<1x128x64xf32, #tpu.memory_space<vmem>>
    %dma_start3A_148 = tpu.memref_squeeze %dma_start3A_147 : memref<1x128x64xf32, #tpu.memory_space<vmem>> -> memref<128x64xf32, #tpu.memory_space<vmem>>
    %dma_start3A_149 = arith.constant 0 : i32
    %dma_start3A_150 = arith.constant 0 : i32
    %dma_start3A_151 = tpu.memref_slice %arg4[%add3A_142, %dma_start3A_149, %dma_start3A_150] : memref<6400x128x64xf32, #tpu.memory_space<hbm>> -> memref<1x128x64xf32, #tpu.memory_space<hbm>>
    %dma_start3A_152 = tpu.memref_squeeze %dma_start3A_151 : memref<1x128x64xf32, #tpu.memory_space<hbm>> -> memref<128x64xf32, #tpu.memory_space<hbm>>
    %dma_start3A_153 = tpu.memref_slice %arg8[%dma_start3A_144] : memref<8x!tpu.dma_semaphore, #tpu.memory_space<semaphore_mem>> -> memref<1x!tpu.dma_semaphore, #tpu.memory_space<semaphore_mem>>
    %dma_start3A_154 = tpu.memref_squeeze %dma_start3A_153 : memref<1x!tpu.dma_semaphore, #tpu.memory_space<semaphore_mem>> -> memref<!tpu.dma_semaphore, #tpu.memory_space<semaphore_mem>>
    %dma_start3A_155 = arith.constant 0 : i32
    %dma_start3A_156 = arith.constant 0 : i32
    %dma_start3A_157 = tpu.memref_slice %arg4[%add3A_142, %dma_start3A_155, %dma_start3A_156] : memref<6400x128x64xf32, #tpu.memory_space<hbm>> -> memref<1x128x64xf32, #tpu.memory_space<hbm>>
    %dma_start3A_158 = tpu.memref_squeeze %dma_start3A_157 : memref<1x128x64xf32, #tpu.memory_space<hbm>> -> memref<128x64xf32, #tpu.memory_space<hbm>>
    %dma_start3A_159 = arith.constant 0 : i32
    %dma_start3A_160 = arith.constant 0 : i32
    %dma_start3A_161 = tpu.memref_slice %arg6[%dma_start3A_143, %dma_start3A_159, %dma_start3A_160] : memref<8x128x64xf32, #tpu.memory_space<vmem>> -> memref<1x128x64xf32, #tpu.memory_space<vmem>>
    %dma_start3A_162 = tpu.memref_squeeze %dma_start3A_161 : memref<1x128x64xf32, #tpu.memory_space<vmem>> -> memref<128x64xf32, #tpu.memory_space<vmem>>
    tpu.enqueue_dma source(%dma_start3A_162 : memref<128x64xf32, #tpu.memory_space<vmem>>) target(%dma_start3A_158 : memref<128x64xf32, #tpu.memory_space<hbm>>) target_semaphore(%dma_start3A_154 : memref<!tpu.dma_semaphore, #tpu.memory_space<semaphore_mem>>)
    %dma_wait3A_163 = arith.constant 193 : i32
    %dma_wait3A_164 = arith.constant 1 : i32
    %dma_wait3A_165 = arith.constant 1 : i32
    %dma_wait3A_166 = arith.constant 0 : i32
    %dma_wait3A_167 = arith.constant 0 : i32
    %dma_wait3A_168 = tpu.memref_slice %arg6[%dma_wait3A_164, %dma_wait3A_166, %dma_wait3A_167] : memref<8x128x64xf32, #tpu.memory_space<vmem>> -> memref<1x128x64xf32, #tpu.memory_space<vmem>>
    %dma_wait3A_169 = tpu.memref_squeeze %dma_wait3A_168 : memref<1x128x64xf32, #tpu.memory_space<vmem>> -> memref<128x64xf32, #tpu.memory_space<vmem>>
    %dma_wait3A_170 = arith.constant 0 : i32
    %dma_wait3A_171 = tpu.memref_slice %arg5[%dma_wait3A_163, %dma_wait3A_170] : memref<200x128xi32, #tpu.memory_space<vmem>> -> memref<1x128xi32, #tpu.memory_space<vmem>>
    %dma_wait3A_172 = tpu.memref_squeeze %dma_wait3A_171 : memref<1x128xi32, #tpu.memory_space<vmem>> -> memref<128xi32, #tpu.memory_space<vmem>>
    %dma_wait3A_173 = arith.constant 0 : i32
    %dma_wait3A_174 = arith.constant 0 : i32
    %dma_wait3A_175 = tpu.memref_slice %arg3[%dma_wait3A_173, %dma_wait3A_174] : memref<1000000x64xf32, #tpu.memory_space<hbm>> -> memref<1000000x64xf32, #tpu.memory_space<hbm>>
    %dma_wait3A_176 = tpu.memref_slice %arg7[%dma_wait3A_165] : memref<8x!tpu.dma_semaphore, #tpu.memory_space<semaphore_mem>> -> memref<1x!tpu.dma_semaphore, #tpu.memory_space<semaphore_mem>>
    %dma_wait3A_177 = tpu.memref_squeeze %dma_wait3A_176 : memref<1x!tpu.dma_semaphore, #tpu.memory_space<semaphore_mem>> -> memref<!tpu.dma_semaphore, #tpu.memory_space<semaphore_mem>>
    tpu.wait_indirect_dma semaphore(%dma_wait3A_177 : memref<!tpu.dma_semaphore, #tpu.memory_space<semaphore_mem>>) src(%dma_wait3A_175 : memref<1000000x64xf32, #tpu.memory_space<hbm>>) dst(%dma_wait3A_169 : memref<128x64xf32, #tpu.memory_space<vmem>>)
    %add3A_178 = arith.constant 193 : i32
    %add3A_179 = arith.addi %mul3A_2, %add3A_178 : i32
    %dma_start3A_180 = arith.constant 1 : i32
    %dma_start3A_181 = arith.constant 1 : i32
    %dma_start3A_182 = arith.constant 0 : i32
    %dma_start3A_183 = arith.constant 0 : i32
    %dma_start3A_184 = tpu.memref_slice %arg6[%dma_start3A_180, %dma_start3A_182, %dma_start3A_183] : memref<8x128x64xf32, #tpu.memory_space<vmem>> -> memref<1x128x64xf32, #tpu.memory_space<vmem>>
    %dma_start3A_185 = tpu.memref_squeeze %dma_start3A_184 : memref<1x128x64xf32, #tpu.memory_space<vmem>> -> memref<128x64xf32, #tpu.memory_space<vmem>>
    %dma_start3A_186 = arith.constant 0 : i32
    %dma_start3A_187 = arith.constant 0 : i32
    %dma_start3A_188 = tpu.memref_slice %arg4[%add3A_179, %dma_start3A_186, %dma_start3A_187] : memref<6400x128x64xf32, #tpu.memory_space<hbm>> -> memref<1x128x64xf32, #tpu.memory_space<hbm>>
    %dma_start3A_189 = tpu.memref_squeeze %dma_start3A_188 : memref<1x128x64xf32, #tpu.memory_space<hbm>> -> memref<128x64xf32, #tpu.memory_space<hbm>>
    %dma_start3A_190 = tpu.memref_slice %arg8[%dma_start3A_181] : memref<8x!tpu.dma_semaphore, #tpu.memory_space<semaphore_mem>> -> memref<1x!tpu.dma_semaphore, #tpu.memory_space<semaphore_mem>>
    %dma_start3A_191 = tpu.memref_squeeze %dma_start3A_190 : memref<1x!tpu.dma_semaphore, #tpu.memory_space<semaphore_mem>> -> memref<!tpu.dma_semaphore, #tpu.memory_space<semaphore_mem>>
    %dma_start3A_192 = arith.constant 0 : i32
    %dma_start3A_193 = arith.constant 0 : i32
    %dma_start3A_194 = tpu.memref_slice %arg4[%add3A_179, %dma_start3A_192, %dma_start3A_193] : memref<6400x128x64xf32, #tpu.memory_space<hbm>> -> memref<1x128x64xf32, #tpu.memory_space<hbm>>
    %dma_start3A_195 = tpu.memref_squeeze %dma_start3A_194 : memref<1x128x64xf32, #tpu.memory_space<hbm>> -> memref<128x64xf32, #tpu.memory_space<hbm>>
    %dma_start3A_196 = arith.constant 0 : i32
    %dma_start3A_197 = arith.constant 0 : i32
    %dma_start3A_198 = tpu.memref_slice %arg6[%dma_start3A_180, %dma_start3A_196, %dma_start3A_197] : memref<8x128x64xf32, #tpu.memory_space<vmem>> -> memref<1x128x64xf32, #tpu.memory_space<vmem>>
    %dma_start3A_199 = tpu.memref_squeeze %dma_start3A_198 : memref<1x128x64xf32, #tpu.memory_space<vmem>> -> memref<128x64xf32, #tpu.memory_space<vmem>>
    tpu.enqueue_dma source(%dma_start3A_199 : memref<128x64xf32, #tpu.memory_space<vmem>>) target(%dma_start3A_195 : memref<128x64xf32, #tpu.memory_space<hbm>>) target_semaphore(%dma_start3A_191 : memref<!tpu.dma_semaphore, #tpu.memory_space<semaphore_mem>>)
    %dma_wait3A_200 = arith.constant 194 : i32
    %dma_wait3A_201 = arith.constant 2 : i32
    %dma_wait3A_202 = arith.constant 2 : i32
    %dma_wait3A_203 = arith.constant 0 : i32
    %dma_wait3A_204 = arith.constant 0 : i32
    %dma_wait3A_205 = tpu.memref_slice %arg6[%dma_wait3A_201, %dma_wait3A_203, %dma_wait3A_204] : memref<8x128x64xf32, #tpu.memory_space<vmem>> -> memref<1x128x64xf32, #tpu.memory_space<vmem>>
    %dma_wait3A_206 = tpu.memref_squeeze %dma_wait3A_205 : memref<1x128x64xf32, #tpu.memory_space<vmem>> -> memref<128x64xf32, #tpu.memory_space<vmem>>
    %dma_wait3A_207 = arith.constant 0 : i32
    %dma_wait3A_208 = tpu.memref_slice %arg5[%dma_wait3A_200, %dma_wait3A_207] : memref<200x128xi32, #tpu.memory_space<vmem>> -> memref<1x128xi32, #tpu.memory_space<vmem>>
    %dma_wait3A_209 = tpu.memref_squeeze %dma_wait3A_208 : memref<1x128xi32, #tpu.memory_space<vmem>> -> memref<128xi32, #tpu.memory_space<vmem>>
    %dma_wait3A_210 = arith.constant 0 : i32
    %dma_wait3A_211 = arith.constant 0 : i32
    %dma_wait3A_212 = tpu.memref_slice %arg3[%dma_wait3A_210, %dma_wait3A_211] : memref<1000000x64xf32, #tpu.memory_space<hbm>> -> memref<1000000x64xf32, #tpu.memory_space<hbm>>
    %dma_wait3A_213 = tpu.memref_slice %arg7[%dma_wait3A_202] : memref<8x!tpu.dma_semaphore, #tpu.memory_space<semaphore_mem>> -> memref<1x!tpu.dma_semaphore, #tpu.memory_space<semaphore_mem>>
    %dma_wait3A_214 = tpu.memref_squeeze %dma_wait3A_213 : memref<1x!tpu.dma_semaphore, #tpu.memory_space<semaphore_mem>> -> memref<!tpu.dma_semaphore, #tpu.memory_space<semaphore_mem>>
    tpu.wait_indirect_dma semaphore(%dma_wait3A_214 : memref<!tpu.dma_semaphore, #tpu.memory_space<semaphore_mem>>) src(%dma_wait3A_212 : memref<1000000x64xf32, #tpu.memory_space<hbm>>) dst(%dma_wait3A_206 : memref<128x64xf32, #tpu.memory_space<vmem>>)
    %add3A_215 = arith.constant 194 : i32
    %add3A_216 = arith.addi %mul3A_2, %add3A_215 : i32
    %dma_start3A_217 = arith.constant 2 : i32
    %dma_start3A_218 = arith.constant 2 : i32
    %dma_start3A_219 = arith.constant 0 : i32
    %dma_start3A_220 = arith.constant 0 : i32
    %dma_start3A_221 = tpu.memref_slice %arg6[%dma_start3A_217, %dma_start3A_219, %dma_start3A_220] : memref<8x128x64xf32, #tpu.memory_space<vmem>> -> memref<1x128x64xf32, #tpu.memory_space<vmem>>
    %dma_start3A_222 = tpu.memref_squeeze %dma_start3A_221 : memref<1x128x64xf32, #tpu.memory_space<vmem>> -> memref<128x64xf32, #tpu.memory_space<vmem>>
    %dma_start3A_223 = arith.constant 0 : i32
    %dma_start3A_224 = arith.constant 0 : i32
    %dma_start3A_225 = tpu.memref_slice %arg4[%add3A_216, %dma_start3A_223, %dma_start3A_224] : memref<6400x128x64xf32, #tpu.memory_space<hbm>> -> memref<1x128x64xf32, #tpu.memory_space<hbm>>
    %dma_start3A_226 = tpu.memref_squeeze %dma_start3A_225 : memref<1x128x64xf32, #tpu.memory_space<hbm>> -> memref<128x64xf32, #tpu.memory_space<hbm>>
    %dma_start3A_227 = tpu.memref_slice %arg8[%dma_start3A_218] : memref<8x!tpu.dma_semaphore, #tpu.memory_space<semaphore_mem>> -> memref<1x!tpu.dma_semaphore, #tpu.memory_space<semaphore_mem>>
    %dma_start3A_228 = tpu.memref_squeeze %dma_start3A_227 : memref<1x!tpu.dma_semaphore, #tpu.memory_space<semaphore_mem>> -> memref<!tpu.dma_semaphore, #tpu.memory_space<semaphore_mem>>
    %dma_start3A_229 = arith.constant 0 : i32
    %dma_start3A_230 = arith.constant 0 : i32
    %dma_start3A_231 = tpu.memref_slice %arg4[%add3A_216, %dma_start3A_229, %dma_start3A_230] : memref<6400x128x64xf32, #tpu.memory_space<hbm>> -> memref<1x128x64xf32, #tpu.memory_space<hbm>>
    %dma_start3A_232 = tpu.memref_squeeze %dma_start3A_231 : memref<1x128x64xf32, #tpu.memory_space<hbm>> -> memref<128x64xf32, #tpu.memory_space<hbm>>
    %dma_start3A_233 = arith.constant 0 : i32
    %dma_start3A_234 = arith.constant 0 : i32
    %dma_start3A_235 = tpu.memref_slice %arg6[%dma_start3A_217, %dma_start3A_233, %dma_start3A_234] : memref<8x128x64xf32, #tpu.memory_space<vmem>> -> memref<1x128x64xf32, #tpu.memory_space<vmem>>
    %dma_start3A_236 = tpu.memref_squeeze %dma_start3A_235 : memref<1x128x64xf32, #tpu.memory_space<vmem>> -> memref<128x64xf32, #tpu.memory_space<vmem>>
    tpu.enqueue_dma source(%dma_start3A_236 : memref<128x64xf32, #tpu.memory_space<vmem>>) target(%dma_start3A_232 : memref<128x64xf32, #tpu.memory_space<hbm>>) target_semaphore(%dma_start3A_228 : memref<!tpu.dma_semaphore, #tpu.memory_space<semaphore_mem>>)
    %dma_wait3A_237 = arith.constant 195 : i32
    %dma_wait3A_238 = arith.constant 3 : i32
    %dma_wait3A_239 = arith.constant 3 : i32
    %dma_wait3A_240 = arith.constant 0 : i32
    %dma_wait3A_241 = arith.constant 0 : i32
    %dma_wait3A_242 = tpu.memref_slice %arg6[%dma_wait3A_238, %dma_wait3A_240, %dma_wait3A_241] : memref<8x128x64xf32, #tpu.memory_space<vmem>> -> memref<1x128x64xf32, #tpu.memory_space<vmem>>
    %dma_wait3A_243 = tpu.memref_squeeze %dma_wait3A_242 : memref<1x128x64xf32, #tpu.memory_space<vmem>> -> memref<128x64xf32, #tpu.memory_space<vmem>>
    %dma_wait3A_244 = arith.constant 0 : i32
    %dma_wait3A_245 = tpu.memref_slice %arg5[%dma_wait3A_237, %dma_wait3A_244] : memref<200x128xi32, #tpu.memory_space<vmem>> -> memref<1x128xi32, #tpu.memory_space<vmem>>
    %dma_wait3A_246 = tpu.memref_squeeze %dma_wait3A_245 : memref<1x128xi32, #tpu.memory_space<vmem>> -> memref<128xi32, #tpu.memory_space<vmem>>
    %dma_wait3A_247 = arith.constant 0 : i32
    %dma_wait3A_248 = arith.constant 0 : i32
    %dma_wait3A_249 = tpu.memref_slice %arg3[%dma_wait3A_247, %dma_wait3A_248] : memref<1000000x64xf32, #tpu.memory_space<hbm>> -> memref<1000000x64xf32, #tpu.memory_space<hbm>>
    %dma_wait3A_250 = tpu.memref_slice %arg7[%dma_wait3A_239] : memref<8x!tpu.dma_semaphore, #tpu.memory_space<semaphore_mem>> -> memref<1x!tpu.dma_semaphore, #tpu.memory_space<semaphore_mem>>
    %dma_wait3A_251 = tpu.memref_squeeze %dma_wait3A_250 : memref<1x!tpu.dma_semaphore, #tpu.memory_space<semaphore_mem>> -> memref<!tpu.dma_semaphore, #tpu.memory_space<semaphore_mem>>
    tpu.wait_indirect_dma semaphore(%dma_wait3A_251 : memref<!tpu.dma_semaphore, #tpu.memory_space<semaphore_mem>>) src(%dma_wait3A_249 : memref<1000000x64xf32, #tpu.memory_space<hbm>>) dst(%dma_wait3A_243 : memref<128x64xf32, #tpu.memory_space<vmem>>)
    %add3A_252 = arith.constant 195 : i32
    %add3A_253 = arith.addi %mul3A_2, %add3A_252 : i32
    %dma_start3A_254 = arith.constant 3 : i32
    %dma_start3A_255 = arith.constant 3 : i32
    %dma_start3A_256 = arith.constant 0 : i32
    %dma_start3A_257 = arith.constant 0 : i32
    %dma_start3A_258 = tpu.memref_slice %arg6[%dma_start3A_254, %dma_start3A_256, %dma_start3A_257] : memref<8x128x64xf32, #tpu.memory_space<vmem>> -> memref<1x128x64xf32, #tpu.memory_space<vmem>>
    %dma_start3A_259 = tpu.memref_squeeze %dma_start3A_258 : memref<1x128x64xf32, #tpu.memory_space<vmem>> -> memref<128x64xf32, #tpu.memory_space<vmem>>
    %dma_start3A_260 = arith.constant 0 : i32
    %dma_start3A_261 = arith.constant 0 : i32
    %dma_start3A_262 = tpu.memref_slice %arg4[%add3A_253, %dma_start3A_260, %dma_start3A_261] : memref<6400x128x64xf32, #tpu.memory_space<hbm>> -> memref<1x128x64xf32, #tpu.memory_space<hbm>>
    %dma_start3A_263 = tpu.memref_squeeze %dma_start3A_262 : memref<1x128x64xf32, #tpu.memory_space<hbm>> -> memref<128x64xf32, #tpu.memory_space<hbm>>
    %dma_start3A_264 = tpu.memref_slice %arg8[%dma_start3A_255] : memref<8x!tpu.dma_semaphore, #tpu.memory_space<semaphore_mem>> -> memref<1x!tpu.dma_semaphore, #tpu.memory_space<semaphore_mem>>
    %dma_start3A_265 = tpu.memref_squeeze %dma_start3A_264 : memref<1x!tpu.dma_semaphore, #tpu.memory_space<semaphore_mem>> -> memref<!tpu.dma_semaphore, #tpu.memory_space<semaphore_mem>>
    %dma_start3A_266 = arith.constant 0 : i32
    %dma_start3A_267 = arith.constant 0 : i32
    %dma_start3A_268 = tpu.memref_slice %arg4[%add3A_253, %dma_start3A_266, %dma_start3A_267] : memref<6400x128x64xf32, #tpu.memory_space<hbm>> -> memref<1x128x64xf32, #tpu.memory_space<hbm>>
    %dma_start3A_269 = tpu.memref_squeeze %dma_start3A_268 : memref<1x128x64xf32, #tpu.memory_space<hbm>> -> memref<128x64xf32, #tpu.memory_space<hbm>>
    %dma_start3A_270 = arith.constant 0 : i32
    %dma_start3A_271 = arith.constant 0 : i32
    %dma_start3A_272 = tpu.memref_slice %arg6[%dma_start3A_254, %dma_start3A_270, %dma_start3A_271] : memref<8x128x64xf32, #tpu.memory_space<vmem>> -> memref<1x128x64xf32, #tpu.memory_space<vmem>>
    %dma_start3A_273 = tpu.memref_squeeze %dma_start3A_272 : memref<1x128x64xf32, #tpu.memory_space<vmem>> -> memref<128x64xf32, #tpu.memory_space<vmem>>
    tpu.enqueue_dma source(%dma_start3A_273 : memref<128x64xf32, #tpu.memory_space<vmem>>) target(%dma_start3A_269 : memref<128x64xf32, #tpu.memory_space<hbm>>) target_semaphore(%dma_start3A_265 : memref<!tpu.dma_semaphore, #tpu.memory_space<semaphore_mem>>)
    %dma_wait3A_274 = arith.constant 196 : i32
    %dma_wait3A_275 = arith.constant 4 : i32
    %dma_wait3A_276 = arith.constant 4 : i32
    %dma_wait3A_277 = arith.constant 0 : i32
    %dma_wait3A_278 = arith.constant 0 : i32
    %dma_wait3A_279 = tpu.memref_slice %arg6[%dma_wait3A_275, %dma_wait3A_277, %dma_wait3A_278] : memref<8x128x64xf32, #tpu.memory_space<vmem>> -> memref<1x128x64xf32, #tpu.memory_space<vmem>>
    %dma_wait3A_280 = tpu.memref_squeeze %dma_wait3A_279 : memref<1x128x64xf32, #tpu.memory_space<vmem>> -> memref<128x64xf32, #tpu.memory_space<vmem>>
    %dma_wait3A_281 = arith.constant 0 : i32
    %dma_wait3A_282 = tpu.memref_slice %arg5[%dma_wait3A_274, %dma_wait3A_281] : memref<200x128xi32, #tpu.memory_space<vmem>> -> memref<1x128xi32, #tpu.memory_space<vmem>>
    %dma_wait3A_283 = tpu.memref_squeeze %dma_wait3A_282 : memref<1x128xi32, #tpu.memory_space<vmem>> -> memref<128xi32, #tpu.memory_space<vmem>>
    %dma_wait3A_284 = arith.constant 0 : i32
    %dma_wait3A_285 = arith.constant 0 : i32
    %dma_wait3A_286 = tpu.memref_slice %arg3[%dma_wait3A_284, %dma_wait3A_285] : memref<1000000x64xf32, #tpu.memory_space<hbm>> -> memref<1000000x64xf32, #tpu.memory_space<hbm>>
    %dma_wait3A_287 = tpu.memref_slice %arg7[%dma_wait3A_276] : memref<8x!tpu.dma_semaphore, #tpu.memory_space<semaphore_mem>> -> memref<1x!tpu.dma_semaphore, #tpu.memory_space<semaphore_mem>>
    %dma_wait3A_288 = tpu.memref_squeeze %dma_wait3A_287 : memref<1x!tpu.dma_semaphore, #tpu.memory_space<semaphore_mem>> -> memref<!tpu.dma_semaphore, #tpu.memory_space<semaphore_mem>>
    tpu.wait_indirect_dma semaphore(%dma_wait3A_288 : memref<!tpu.dma_semaphore, #tpu.memory_space<semaphore_mem>>) src(%dma_wait3A_286 : memref<1000000x64xf32, #tpu.memory_space<hbm>>) dst(%dma_wait3A_280 : memref<128x64xf32, #tpu.memory_space<vmem>>)
    %add3A_289 = arith.constant 196 : i32
    %add3A_290 = arith.addi %mul3A_2, %add3A_289 : i32
    %dma_start3A_291 = arith.constant 4 : i32
    %dma_start3A_292 = arith.constant 4 : i32
    %dma_start3A_293 = arith.constant 0 : i32
    %dma_start3A_294 = arith.constant 0 : i32
    %dma_start3A_295 = tpu.memref_slice %arg6[%dma_start3A_291, %dma_start3A_293, %dma_start3A_294] : memref<8x128x64xf32, #tpu.memory_space<vmem>> -> memref<1x128x64xf32, #tpu.memory_space<vmem>>
    %dma_start3A_296 = tpu.memref_squeeze %dma_start3A_295 : memref<1x128x64xf32, #tpu.memory_space<vmem>> -> memref<128x64xf32, #tpu.memory_space<vmem>>
    %dma_start3A_297 = arith.constant 0 : i32
    %dma_start3A_298 = arith.constant 0 : i32
    %dma_start3A_299 = tpu.memref_slice %arg4[%add3A_290, %dma_start3A_297, %dma_start3A_298] : memref<6400x128x64xf32, #tpu.memory_space<hbm>> -> memref<1x128x64xf32, #tpu.memory_space<hbm>>
    %dma_start3A_300 = tpu.memref_squeeze %dma_start3A_299 : memref<1x128x64xf32, #tpu.memory_space<hbm>> -> memref<128x64xf32, #tpu.memory_space<hbm>>
    %dma_start3A_301 = tpu.memref_slice %arg8[%dma_start3A_292] : memref<8x!tpu.dma_semaphore, #tpu.memory_space<semaphore_mem>> -> memref<1x!tpu.dma_semaphore, #tpu.memory_space<semaphore_mem>>
    %dma_start3A_302 = tpu.memref_squeeze %dma_start3A_301 : memref<1x!tpu.dma_semaphore, #tpu.memory_space<semaphore_mem>> -> memref<!tpu.dma_semaphore, #tpu.memory_space<semaphore_mem>>
    %dma_start3A_303 = arith.constant 0 : i32
    %dma_start3A_304 = arith.constant 0 : i32
    %dma_start3A_305 = tpu.memref_slice %arg4[%add3A_290, %dma_start3A_303, %dma_start3A_304] : memref<6400x128x64xf32, #tpu.memory_space<hbm>> -> memref<1x128x64xf32, #tpu.memory_space<hbm>>
    %dma_start3A_306 = tpu.memref_squeeze %dma_start3A_305 : memref<1x128x64xf32, #tpu.memory_space<hbm>> -> memref<128x64xf32, #tpu.memory_space<hbm>>
    %dma_start3A_307 = arith.constant 0 : i32
    %dma_start3A_308 = arith.constant 0 : i32
    %dma_start3A_309 = tpu.memref_slice %arg6[%dma_start3A_291, %dma_start3A_307, %dma_start3A_308] : memref<8x128x64xf32, #tpu.memory_space<vmem>> -> memref<1x128x64xf32, #tpu.memory_space<vmem>>
    %dma_start3A_310 = tpu.memref_squeeze %dma_start3A_309 : memref<1x128x64xf32, #tpu.memory_space<vmem>> -> memref<128x64xf32, #tpu.memory_space<vmem>>
    tpu.enqueue_dma source(%dma_start3A_310 : memref<128x64xf32, #tpu.memory_space<vmem>>) target(%dma_start3A_306 : memref<128x64xf32, #tpu.memory_space<hbm>>) target_semaphore(%dma_start3A_302 : memref<!tpu.dma_semaphore, #tpu.memory_space<semaphore_mem>>)
    %dma_wait3A_311 = arith.constant 197 : i32
    %dma_wait3A_312 = arith.constant 5 : i32
    %dma_wait3A_313 = arith.constant 5 : i32
    %dma_wait3A_314 = arith.constant 0 : i32
    %dma_wait3A_315 = arith.constant 0 : i32
    %dma_wait3A_316 = tpu.memref_slice %arg6[%dma_wait3A_312, %dma_wait3A_314, %dma_wait3A_315] : memref<8x128x64xf32, #tpu.memory_space<vmem>> -> memref<1x128x64xf32, #tpu.memory_space<vmem>>
    %dma_wait3A_317 = tpu.memref_squeeze %dma_wait3A_316 : memref<1x128x64xf32, #tpu.memory_space<vmem>> -> memref<128x64xf32, #tpu.memory_space<vmem>>
    %dma_wait3A_318 = arith.constant 0 : i32
    %dma_wait3A_319 = tpu.memref_slice %arg5[%dma_wait3A_311, %dma_wait3A_318] : memref<200x128xi32, #tpu.memory_space<vmem>> -> memref<1x128xi32, #tpu.memory_space<vmem>>
    %dma_wait3A_320 = tpu.memref_squeeze %dma_wait3A_319 : memref<1x128xi32, #tpu.memory_space<vmem>> -> memref<128xi32, #tpu.memory_space<vmem>>
    %dma_wait3A_321 = arith.constant 0 : i32
    %dma_wait3A_322 = arith.constant 0 : i32
    %dma_wait3A_323 = tpu.memref_slice %arg3[%dma_wait3A_321, %dma_wait3A_322] : memref<1000000x64xf32, #tpu.memory_space<hbm>> -> memref<1000000x64xf32, #tpu.memory_space<hbm>>
    %dma_wait3A_324 = tpu.memref_slice %arg7[%dma_wait3A_313] : memref<8x!tpu.dma_semaphore, #tpu.memory_space<semaphore_mem>> -> memref<1x!tpu.dma_semaphore, #tpu.memory_space<semaphore_mem>>
    %dma_wait3A_325 = tpu.memref_squeeze %dma_wait3A_324 : memref<1x!tpu.dma_semaphore, #tpu.memory_space<semaphore_mem>> -> memref<!tpu.dma_semaphore, #tpu.memory_space<semaphore_mem>>
    tpu.wait_indirect_dma semaphore(%dma_wait3A_325 : memref<!tpu.dma_semaphore, #tpu.memory_space<semaphore_mem>>) src(%dma_wait3A_323 : memref<1000000x64xf32, #tpu.memory_space<hbm>>) dst(%dma_wait3A_317 : memref<128x64xf32, #tpu.memory_space<vmem>>)
    %add3A_326 = arith.constant 197 : i32
    %add3A_327 = arith.addi %mul3A_2, %add3A_326 : i32
    %dma_start3A_328 = arith.constant 5 : i32
    %dma_start3A_329 = arith.constant 5 : i32
    %dma_start3A_330 = arith.constant 0 : i32
    %dma_start3A_331 = arith.constant 0 : i32
    %dma_start3A_332 = tpu.memref_slice %arg6[%dma_start3A_328, %dma_start3A_330, %dma_start3A_331] : memref<8x128x64xf32, #tpu.memory_space<vmem>> -> memref<1x128x64xf32, #tpu.memory_space<vmem>>
    %dma_start3A_333 = tpu.memref_squeeze %dma_start3A_332 : memref<1x128x64xf32, #tpu.memory_space<vmem>> -> memref<128x64xf32, #tpu.memory_space<vmem>>
    %dma_start3A_334 = arith.constant 0 : i32
    %dma_start3A_335 = arith.constant 0 : i32
    %dma_start3A_336 = tpu.memref_slice %arg4[%add3A_327, %dma_start3A_334, %dma_start3A_335] : memref<6400x128x64xf32, #tpu.memory_space<hbm>> -> memref<1x128x64xf32, #tpu.memory_space<hbm>>
    %dma_start3A_337 = tpu.memref_squeeze %dma_start3A_336 : memref<1x128x64xf32, #tpu.memory_space<hbm>> -> memref<128x64xf32, #tpu.memory_space<hbm>>
    %dma_start3A_338 = tpu.memref_slice %arg8[%dma_start3A_329] : memref<8x!tpu.dma_semaphore, #tpu.memory_space<semaphore_mem>> -> memref<1x!tpu.dma_semaphore, #tpu.memory_space<semaphore_mem>>
    %dma_start3A_339 = tpu.memref_squeeze %dma_start3A_338 : memref<1x!tpu.dma_semaphore, #tpu.memory_space<semaphore_mem>> -> memref<!tpu.dma_semaphore, #tpu.memory_space<semaphore_mem>>
    %dma_start3A_340 = arith.constant 0 : i32
    %dma_start3A_341 = arith.constant 0 : i32
    %dma_start3A_342 = tpu.memref_slice %arg4[%add3A_327, %dma_start3A_340, %dma_start3A_341] : memref<6400x128x64xf32, #tpu.memory_space<hbm>> -> memref<1x128x64xf32, #tpu.memory_space<hbm>>
    %dma_start3A_343 = tpu.memref_squeeze %dma_start3A_342 : memref<1x128x64xf32, #tpu.memory_space<hbm>> -> memref<128x64xf32, #tpu.memory_space<hbm>>
    %dma_start3A_344 = arith.constant 0 : i32
    %dma_start3A_345 = arith.constant 0 : i32
    %dma_start3A_346 = tpu.memref_slice %arg6[%dma_start3A_328, %dma_start3A_344, %dma_start3A_345] : memref<8x128x64xf32, #tpu.memory_space<vmem>> -> memref<1x128x64xf32, #tpu.memory_space<vmem>>
    %dma_start3A_347 = tpu.memref_squeeze %dma_start3A_346 : memref<1x128x64xf32, #tpu.memory_space<vmem>> -> memref<128x64xf32, #tpu.memory_space<vmem>>
    tpu.enqueue_dma source(%dma_start3A_347 : memref<128x64xf32, #tpu.memory_space<vmem>>) target(%dma_start3A_343 : memref<128x64xf32, #tpu.memory_space<hbm>>) target_semaphore(%dma_start3A_339 : memref<!tpu.dma_semaphore, #tpu.memory_space<semaphore_mem>>)
    %dma_wait3A_348 = arith.constant 198 : i32
    %dma_wait3A_349 = arith.constant 6 : i32
    %dma_wait3A_350 = arith.constant 6 : i32
    %dma_wait3A_351 = arith.constant 0 : i32
    %dma_wait3A_352 = arith.constant 0 : i32
    %dma_wait3A_353 = tpu.memref_slice %arg6[%dma_wait3A_349, %dma_wait3A_351, %dma_wait3A_352] : memref<8x128x64xf32, #tpu.memory_space<vmem>> -> memref<1x128x64xf32, #tpu.memory_space<vmem>>
    %dma_wait3A_354 = tpu.memref_squeeze %dma_wait3A_353 : memref<1x128x64xf32, #tpu.memory_space<vmem>> -> memref<128x64xf32, #tpu.memory_space<vmem>>
    %dma_wait3A_355 = arith.constant 0 : i32
    %dma_wait3A_356 = tpu.memref_slice %arg5[%dma_wait3A_348, %dma_wait3A_355] : memref<200x128xi32, #tpu.memory_space<vmem>> -> memref<1x128xi32, #tpu.memory_space<vmem>>
    %dma_wait3A_357 = tpu.memref_squeeze %dma_wait3A_356 : memref<1x128xi32, #tpu.memory_space<vmem>> -> memref<128xi32, #tpu.memory_space<vmem>>
    %dma_wait3A_358 = arith.constant 0 : i32
    %dma_wait3A_359 = arith.constant 0 : i32
    %dma_wait3A_360 = tpu.memref_slice %arg3[%dma_wait3A_358, %dma_wait3A_359] : memref<1000000x64xf32, #tpu.memory_space<hbm>> -> memref<1000000x64xf32, #tpu.memory_space<hbm>>
    %dma_wait3A_361 = tpu.memref_slice %arg7[%dma_wait3A_350] : memref<8x!tpu.dma_semaphore, #tpu.memory_space<semaphore_mem>> -> memref<1x!tpu.dma_semaphore, #tpu.memory_space<semaphore_mem>>
    %dma_wait3A_362 = tpu.memref_squeeze %dma_wait3A_361 : memref<1x!tpu.dma_semaphore, #tpu.memory_space<semaphore_mem>> -> memref<!tpu.dma_semaphore, #tpu.memory_space<semaphore_mem>>
    tpu.wait_indirect_dma semaphore(%dma_wait3A_362 : memref<!tpu.dma_semaphore, #tpu.memory_space<semaphore_mem>>) src(%dma_wait3A_360 : memref<1000000x64xf32, #tpu.memory_space<hbm>>) dst(%dma_wait3A_354 : memref<128x64xf32, #tpu.memory_space<vmem>>)
    %add3A_363 = arith.constant 198 : i32
    %add3A_364 = arith.addi %mul3A_2, %add3A_363 : i32
    %dma_start3A_365 = arith.constant 6 : i32
    %dma_start3A_366 = arith.constant 6 : i32
    %dma_start3A_367 = arith.constant 0 : i32
    %dma_start3A_368 = arith.constant 0 : i32
    %dma_start3A_369 = tpu.memref_slice %arg6[%dma_start3A_365, %dma_start3A_367, %dma_start3A_368] : memref<8x128x64xf32, #tpu.memory_space<vmem>> -> memref<1x128x64xf32, #tpu.memory_space<vmem>>
    %dma_start3A_370 = tpu.memref_squeeze %dma_start3A_369 : memref<1x128x64xf32, #tpu.memory_space<vmem>> -> memref<128x64xf32, #tpu.memory_space<vmem>>
    %dma_start3A_371 = arith.constant 0 : i32
    %dma_start3A_372 = arith.constant 0 : i32
    %dma_start3A_373 = tpu.memref_slice %arg4[%add3A_364, %dma_start3A_371, %dma_start3A_372] : memref<6400x128x64xf32, #tpu.memory_space<hbm>> -> memref<1x128x64xf32, #tpu.memory_space<hbm>>
    %dma_start3A_374 = tpu.memref_squeeze %dma_start3A_373 : memref<1x128x64xf32, #tpu.memory_space<hbm>> -> memref<128x64xf32, #tpu.memory_space<hbm>>
    %dma_start3A_375 = tpu.memref_slice %arg8[%dma_start3A_366] : memref<8x!tpu.dma_semaphore, #tpu.memory_space<semaphore_mem>> -> memref<1x!tpu.dma_semaphore, #tpu.memory_space<semaphore_mem>>
    %dma_start3A_376 = tpu.memref_squeeze %dma_start3A_375 : memref<1x!tpu.dma_semaphore, #tpu.memory_space<semaphore_mem>> -> memref<!tpu.dma_semaphore, #tpu.memory_space<semaphore_mem>>
    %dma_start3A_377 = arith.constant 0 : i32
    %dma_start3A_378 = arith.constant 0 : i32
    %dma_start3A_379 = tpu.memref_slice %arg4[%add3A_364, %dma_start3A_377, %dma_start3A_378] : memref<6400x128x64xf32, #tpu.memory_space<hbm>> -> memref<1x128x64xf32, #tpu.memory_space<hbm>>
    %dma_start3A_380 = tpu.memref_squeeze %dma_start3A_379 : memref<1x128x64xf32, #tpu.memory_space<hbm>> -> memref<128x64xf32, #tpu.memory_space<hbm>>
    %dma_start3A_381 = arith.constant 0 : i32
    %dma_start3A_382 = arith.constant 0 : i32
    %dma_start3A_383 = tpu.memref_slice %arg6[%dma_start3A_365, %dma_start3A_381, %dma_start3A_382] : memref<8x128x64xf32, #tpu.memory_space<vmem>> -> memref<1x128x64xf32, #tpu.memory_space<vmem>>
    %dma_start3A_384 = tpu.memref_squeeze %dma_start3A_383 : memref<1x128x64xf32, #tpu.memory_space<vmem>> -> memref<128x64xf32, #tpu.memory_space<vmem>>
    tpu.enqueue_dma source(%dma_start3A_384 : memref<128x64xf32, #tpu.memory_space<vmem>>) target(%dma_start3A_380 : memref<128x64xf32, #tpu.memory_space<hbm>>) target_semaphore(%dma_start3A_376 : memref<!tpu.dma_semaphore, #tpu.memory_space<semaphore_mem>>)
    %dma_wait3A_385 = arith.constant 199 : i32
    %dma_wait3A_386 = arith.constant 7 : i32
    %dma_wait3A_387 = arith.constant 7 : i32
    %dma_wait3A_388 = arith.constant 0 : i32
    %dma_wait3A_389 = arith.constant 0 : i32
    %dma_wait3A_390 = tpu.memref_slice %arg6[%dma_wait3A_386, %dma_wait3A_388, %dma_wait3A_389] : memref<8x128x64xf32, #tpu.memory_space<vmem>> -> memref<1x128x64xf32, #tpu.memory_space<vmem>>
    %dma_wait3A_391 = tpu.memref_squeeze %dma_wait3A_390 : memref<1x128x64xf32, #tpu.memory_space<vmem>> -> memref<128x64xf32, #tpu.memory_space<vmem>>
    %dma_wait3A_392 = arith.constant 0 : i32
    %dma_wait3A_393 = tpu.memref_slice %arg5[%dma_wait3A_385, %dma_wait3A_392] : memref<200x128xi32, #tpu.memory_space<vmem>> -> memref<1x128xi32, #tpu.memory_space<vmem>>
    %dma_wait3A_394 = tpu.memref_squeeze %dma_wait3A_393 : memref<1x128xi32, #tpu.memory_space<vmem>> -> memref<128xi32, #tpu.memory_space<vmem>>
    %dma_wait3A_395 = arith.constant 0 : i32
    %dma_wait3A_396 = arith.constant 0 : i32
    %dma_wait3A_397 = tpu.memref_slice %arg3[%dma_wait3A_395, %dma_wait3A_396] : memref<1000000x64xf32, #tpu.memory_space<hbm>> -> memref<1000000x64xf32, #tpu.memory_space<hbm>>
    %dma_wait3A_398 = tpu.memref_slice %arg7[%dma_wait3A_387] : memref<8x!tpu.dma_semaphore, #tpu.memory_space<semaphore_mem>> -> memref<1x!tpu.dma_semaphore, #tpu.memory_space<semaphore_mem>>
    %dma_wait3A_399 = tpu.memref_squeeze %dma_wait3A_398 : memref<1x!tpu.dma_semaphore, #tpu.memory_space<semaphore_mem>> -> memref<!tpu.dma_semaphore, #tpu.memory_space<semaphore_mem>>
    tpu.wait_indirect_dma semaphore(%dma_wait3A_399 : memref<!tpu.dma_semaphore, #tpu.memory_space<semaphore_mem>>) src(%dma_wait3A_397 : memref<1000000x64xf32, #tpu.memory_space<hbm>>) dst(%dma_wait3A_391 : memref<128x64xf32, #tpu.memory_space<vmem>>)
    %add3A_400 = arith.constant 199 : i32
    %add3A_401 = arith.addi %mul3A_2, %add3A_400 : i32
    %dma_start3A_402 = arith.constant 7 : i32
    %dma_start3A_403 = arith.constant 7 : i32
    %dma_start3A_404 = arith.constant 0 : i32
    %dma_start3A_405 = arith.constant 0 : i32
    %dma_start3A_406 = tpu.memref_slice %arg6[%dma_start3A_402, %dma_start3A_404, %dma_start3A_405] : memref<8x128x64xf32, #tpu.memory_space<vmem>> -> memref<1x128x64xf32, #tpu.memory_space<vmem>>
    %dma_start3A_407 = tpu.memref_squeeze %dma_start3A_406 : memref<1x128x64xf32, #tpu.memory_space<vmem>> -> memref<128x64xf32, #tpu.memory_space<vmem>>
    %dma_start3A_408 = arith.constant 0 : i32
    %dma_start3A_409 = arith.constant 0 : i32
    %dma_start3A_410 = tpu.memref_slice %arg4[%add3A_401, %dma_start3A_408, %dma_start3A_409] : memref<6400x128x64xf32, #tpu.memory_space<hbm>> -> memref<1x128x64xf32, #tpu.memory_space<hbm>>
    %dma_start3A_411 = tpu.memref_squeeze %dma_start3A_410 : memref<1x128x64xf32, #tpu.memory_space<hbm>> -> memref<128x64xf32, #tpu.memory_space<hbm>>
    %dma_start3A_412 = tpu.memref_slice %arg8[%dma_start3A_403] : memref<8x!tpu.dma_semaphore, #tpu.memory_space<semaphore_mem>> -> memref<1x!tpu.dma_semaphore, #tpu.memory_space<semaphore_mem>>
    %dma_start3A_413 = tpu.memref_squeeze %dma_start3A_412 : memref<1x!tpu.dma_semaphore, #tpu.memory_space<semaphore_mem>> -> memref<!tpu.dma_semaphore, #tpu.memory_space<semaphore_mem>>
    %dma_start3A_414 = arith.constant 0 : i32
    %dma_start3A_415 = arith.constant 0 : i32
    %dma_start3A_416 = tpu.memref_slice %arg4[%add3A_401, %dma_start3A_414, %dma_start3A_415] : memref<6400x128x64xf32, #tpu.memory_space<hbm>> -> memref<1x128x64xf32, #tpu.memory_space<hbm>>
    %dma_start3A_417 = tpu.memref_squeeze %dma_start3A_416 : memref<1x128x64xf32, #tpu.memory_space<hbm>> -> memref<128x64xf32, #tpu.memory_space<hbm>>
    %dma_start3A_418 = arith.constant 0 : i32
    %dma_start3A_419 = arith.constant 0 : i32
    %dma_start3A_420 = tpu.memref_slice %arg6[%dma_start3A_402, %dma_start3A_418, %dma_start3A_419] : memref<8x128x64xf32, #tpu.memory_space<vmem>> -> memref<1x128x64xf32, #tpu.memory_space<vmem>>
    %dma_start3A_421 = tpu.memref_squeeze %dma_start3A_420 : memref<1x128x64xf32, #tpu.memory_space<vmem>> -> memref<128x64xf32, #tpu.memory_space<vmem>>
    tpu.enqueue_dma source(%dma_start3A_421 : memref<128x64xf32, #tpu.memory_space<vmem>>) target(%dma_start3A_417 : memref<128x64xf32, #tpu.memory_space<hbm>>) target_semaphore(%dma_start3A_413 : memref<!tpu.dma_semaphore, #tpu.memory_space<semaphore_mem>>)
    %add3A_422 = arith.constant 192 : i32
    %add3A_423 = arith.addi %mul3A_2, %add3A_422 : i32
    %dma_wait3A_424 = arith.constant 0 : i32
    %dma_wait3A_425 = arith.constant 0 : i32
    %dma_wait3A_426 = arith.constant 0 : i32
    %dma_wait3A_427 = arith.constant 0 : i32
    %dma_wait3A_428 = tpu.memref_slice %arg6[%dma_wait3A_424, %dma_wait3A_426, %dma_wait3A_427] : memref<8x128x64xf32, #tpu.memory_space<vmem>> -> memref<1x128x64xf32, #tpu.memory_space<vmem>>
    %dma_wait3A_429 = tpu.memref_squeeze %dma_wait3A_428 : memref<1x128x64xf32, #tpu.memory_space<vmem>> -> memref<128x64xf32, #tpu.memory_space<vmem>>
    %dma_wait3A_430 = arith.constant 0 : i32
    %dma_wait3A_431 = arith.constant 0 : i32
    %dma_wait3A_432 = tpu.memref_slice %arg4[%add3A_423, %dma_wait3A_430, %dma_wait3A_431] : memref<6400x128x64xf32, #tpu.memory_space<hbm>> -> memref<1x128x64xf32, #tpu.memory_space<hbm>>
    %dma_wait3A_433 = tpu.memref_squeeze %dma_wait3A_432 : memref<1x128x64xf32, #tpu.memory_space<hbm>> -> memref<128x64xf32, #tpu.memory_space<hbm>>
    %dma_wait3A_434 = tpu.memref_slice %arg8[%dma_wait3A_425] : memref<8x!tpu.dma_semaphore, #tpu.memory_space<semaphore_mem>> -> memref<1x!tpu.dma_semaphore, #tpu.memory_space<semaphore_mem>>
    %dma_wait3A_435 = tpu.memref_squeeze %dma_wait3A_434 : memref<1x!tpu.dma_semaphore, #tpu.memory_space<semaphore_mem>> -> memref<!tpu.dma_semaphore, #tpu.memory_space<semaphore_mem>>
    %dma_wait3A_436 = arith.constant 0 : i32
    %dma_wait3A_437 = arith.constant 0 : i32
    %dma_wait3A_438 = tpu.memref_slice %arg4[%add3A_423, %dma_wait3A_436, %dma_wait3A_437] : memref<6400x128x64xf32, #tpu.memory_space<hbm>> -> memref<1x128x64xf32, #tpu.memory_space<hbm>>
    %dma_wait3A_439 = tpu.memref_squeeze %dma_wait3A_438 : memref<1x128x64xf32, #tpu.memory_space<hbm>> -> memref<128x64xf32, #tpu.memory_space<hbm>>
    %dma_wait3A_440 = arith.constant 0 : i32
    %dma_wait3A_441 = arith.constant 0 : i32
    %dma_wait3A_442 = tpu.memref_slice %arg6[%dma_wait3A_424, %dma_wait3A_440, %dma_wait3A_441] : memref<8x128x64xf32, #tpu.memory_space<vmem>> -> memref<1x128x64xf32, #tpu.memory_space<vmem>>
    %dma_wait3A_443 = tpu.memref_squeeze %dma_wait3A_442 : memref<1x128x64xf32, #tpu.memory_space<vmem>> -> memref<128x64xf32, #tpu.memory_space<vmem>>
    tpu.wait_dma2 semaphore(%dma_wait3A_435 : memref<!tpu.dma_semaphore, #tpu.memory_space<semaphore_mem>>) src(%dma_wait3A_443 : memref<128x64xf32, #tpu.memory_space<vmem>>) dst(%dma_wait3A_439 : memref<128x64xf32, #tpu.memory_space<hbm>>)
    %add3A_444 = arith.constant 193 : i32
    %add3A_445 = arith.addi %mul3A_2, %add3A_444 : i32
    %dma_wait3A_446 = arith.constant 1 : i32
    %dma_wait3A_447 = arith.constant 1 : i32
    %dma_wait3A_448 = arith.constant 0 : i32
    %dma_wait3A_449 = arith.constant 0 : i32
    %dma_wait3A_450 = tpu.memref_slice %arg6[%dma_wait3A_446, %dma_wait3A_448, %dma_wait3A_449] : memref<8x128x64xf32, #tpu.memory_space<vmem>> -> memref<1x128x64xf32, #tpu.memory_space<vmem>>
    %dma_wait3A_451 = tpu.memref_squeeze %dma_wait3A_450 : memref<1x128x64xf32, #tpu.memory_space<vmem>> -> memref<128x64xf32, #tpu.memory_space<vmem>>
    %dma_wait3A_452 = arith.constant 0 : i32
    %dma_wait3A_453 = arith.constant 0 : i32
    %dma_wait3A_454 = tpu.memref_slice %arg4[%add3A_445, %dma_wait3A_452, %dma_wait3A_453] : memref<6400x128x64xf32, #tpu.memory_space<hbm>> -> memref<1x128x64xf32, #tpu.memory_space<hbm>>
    %dma_wait3A_455 = tpu.memref_squeeze %dma_wait3A_454 : memref<1x128x64xf32, #tpu.memory_space<hbm>> -> memref<128x64xf32, #tpu.memory_space<hbm>>
    %dma_wait3A_456 = tpu.memref_slice %arg8[%dma_wait3A_447] : memref<8x!tpu.dma_semaphore, #tpu.memory_space<semaphore_mem>> -> memref<1x!tpu.dma_semaphore, #tpu.memory_space<semaphore_mem>>
    %dma_wait3A_457 = tpu.memref_squeeze %dma_wait3A_456 : memref<1x!tpu.dma_semaphore, #tpu.memory_space<semaphore_mem>> -> memref<!tpu.dma_semaphore, #tpu.memory_space<semaphore_mem>>
    %dma_wait3A_458 = arith.constant 0 : i32
    %dma_wait3A_459 = arith.constant 0 : i32
    %dma_wait3A_460 = tpu.memref_slice %arg4[%add3A_445, %dma_wait3A_458, %dma_wait3A_459] : memref<6400x128x64xf32, #tpu.memory_space<hbm>> -> memref<1x128x64xf32, #tpu.memory_space<hbm>>
    %dma_wait3A_461 = tpu.memref_squeeze %dma_wait3A_460 : memref<1x128x64xf32, #tpu.memory_space<hbm>> -> memref<128x64xf32, #tpu.memory_space<hbm>>
    %dma_wait3A_462 = arith.constant 0 : i32
    %dma_wait3A_463 = arith.constant 0 : i32
    %dma_wait3A_464 = tpu.memref_slice %arg6[%dma_wait3A_446, %dma_wait3A_462, %dma_wait3A_463] : memref<8x128x64xf32, #tpu.memory_space<vmem>> -> memref<1x128x64xf32, #tpu.memory_space<vmem>>
    %dma_wait3A_465 = tpu.memref_squeeze %dma_wait3A_464 : memref<1x128x64xf32, #tpu.memory_space<vmem>> -> memref<128x64xf32, #tpu.memory_space<vmem>>
    tpu.wait_dma2 semaphore(%dma_wait3A_457 : memref<!tpu.dma_semaphore, #tpu.memory_space<semaphore_mem>>) src(%dma_wait3A_465 : memref<128x64xf32, #tpu.memory_space<vmem>>) dst(%dma_wait3A_461 : memref<128x64xf32, #tpu.memory_space<hbm>>)
    %add3A_466 = arith.constant 194 : i32
    %add3A_467 = arith.addi %mul3A_2, %add3A_466 : i32
    %dma_wait3A_468 = arith.constant 2 : i32
    %dma_wait3A_469 = arith.constant 2 : i32
    %dma_wait3A_470 = arith.constant 0 : i32
    %dma_wait3A_471 = arith.constant 0 : i32
    %dma_wait3A_472 = tpu.memref_slice %arg6[%dma_wait3A_468, %dma_wait3A_470, %dma_wait3A_471] : memref<8x128x64xf32, #tpu.memory_space<vmem>> -> memref<1x128x64xf32, #tpu.memory_space<vmem>>
    %dma_wait3A_473 = tpu.memref_squeeze %dma_wait3A_472 : memref<1x128x64xf32, #tpu.memory_space<vmem>> -> memref<128x64xf32, #tpu.memory_space<vmem>>
    %dma_wait3A_474 = arith.constant 0 : i32
    %dma_wait3A_475 = arith.constant 0 : i32
    %dma_wait3A_476 = tpu.memref_slice %arg4[%add3A_467, %dma_wait3A_474, %dma_wait3A_475] : memref<6400x128x64xf32, #tpu.memory_space<hbm>> -> memref<1x128x64xf32, #tpu.memory_space<hbm>>
    %dma_wait3A_477 = tpu.memref_squeeze %dma_wait3A_476 : memref<1x128x64xf32, #tpu.memory_space<hbm>> -> memref<128x64xf32, #tpu.memory_space<hbm>>
    %dma_wait3A_478 = tpu.memref_slice %arg8[%dma_wait3A_469] : memref<8x!tpu.dma_semaphore, #tpu.memory_space<semaphore_mem>> -> memref<1x!tpu.dma_semaphore, #tpu.memory_space<semaphore_mem>>
    %dma_wait3A_479 = tpu.memref_squeeze %dma_wait3A_478 : memref<1x!tpu.dma_semaphore, #tpu.memory_space<semaphore_mem>> -> memref<!tpu.dma_semaphore, #tpu.memory_space<semaphore_mem>>
    %dma_wait3A_480 = arith.constant 0 : i32
    %dma_wait3A_481 = arith.constant 0 : i32
    %dma_wait3A_482 = tpu.memref_slice %arg4[%add3A_467, %dma_wait3A_480, %dma_wait3A_481] : memref<6400x128x64xf32, #tpu.memory_space<hbm>> -> memref<1x128x64xf32, #tpu.memory_space<hbm>>
    %dma_wait3A_483 = tpu.memref_squeeze %dma_wait3A_482 : memref<1x128x64xf32, #tpu.memory_space<hbm>> -> memref<128x64xf32, #tpu.memory_space<hbm>>
    %dma_wait3A_484 = arith.constant 0 : i32
    %dma_wait3A_485 = arith.constant 0 : i32
    %dma_wait3A_486 = tpu.memref_slice %arg6[%dma_wait3A_468, %dma_wait3A_484, %dma_wait3A_485] : memref<8x128x64xf32, #tpu.memory_space<vmem>> -> memref<1x128x64xf32, #tpu.memory_space<vmem>>
    %dma_wait3A_487 = tpu.memref_squeeze %dma_wait3A_486 : memref<1x128x64xf32, #tpu.memory_space<vmem>> -> memref<128x64xf32, #tpu.memory_space<vmem>>
    tpu.wait_dma2 semaphore(%dma_wait3A_479 : memref<!tpu.dma_semaphore, #tpu.memory_space<semaphore_mem>>) src(%dma_wait3A_487 : memref<128x64xf32, #tpu.memory_space<vmem>>) dst(%dma_wait3A_483 : memref<128x64xf32, #tpu.memory_space<hbm>>)
    %add3A_488 = arith.constant 195 : i32
    %add3A_489 = arith.addi %mul3A_2, %add3A_488 : i32
    %dma_wait3A_490 = arith.constant 3 : i32
    %dma_wait3A_491 = arith.constant 3 : i32
    %dma_wait3A_492 = arith.constant 0 : i32
    %dma_wait3A_493 = arith.constant 0 : i32
    %dma_wait3A_494 = tpu.memref_slice %arg6[%dma_wait3A_490, %dma_wait3A_492, %dma_wait3A_493] : memref<8x128x64xf32, #tpu.memory_space<vmem>> -> memref<1x128x64xf32, #tpu.memory_space<vmem>>
    %dma_wait3A_495 = tpu.memref_squeeze %dma_wait3A_494 : memref<1x128x64xf32, #tpu.memory_space<vmem>> -> memref<128x64xf32, #tpu.memory_space<vmem>>
    %dma_wait3A_496 = arith.constant 0 : i32
    %dma_wait3A_497 = arith.constant 0 : i32
    %dma_wait3A_498 = tpu.memref_slice %arg4[%add3A_489, %dma_wait3A_496, %dma_wait3A_497] : memref<6400x128x64xf32, #tpu.memory_space<hbm>> -> memref<1x128x64xf32, #tpu.memory_space<hbm>>
    %dma_wait3A_499 = tpu.memref_squeeze %dma_wait3A_498 : memref<1x128x64xf32, #tpu.memory_space<hbm>> -> memref<128x64xf32, #tpu.memory_space<hbm>>
    %dma_wait3A_500 = tpu.memref_slice %arg8[%dma_wait3A_491] : memref<8x!tpu.dma_semaphore, #tpu.memory_space<semaphore_mem>> -> memref<1x!tpu.dma_semaphore, #tpu.memory_space<semaphore_mem>>
    %dma_wait3A_501 = tpu.memref_squeeze %dma_wait3A_500 : memref<1x!tpu.dma_semaphore, #tpu.memory_space<semaphore_mem>> -> memref<!tpu.dma_semaphore, #tpu.memory_space<semaphore_mem>>
    %dma_wait3A_502 = arith.constant 0 : i32
    %dma_wait3A_503 = arith.constant 0 : i32
    %dma_wait3A_504 = tpu.memref_slice %arg4[%add3A_489, %dma_wait3A_502, %dma_wait3A_503] : memref<6400x128x64xf32, #tpu.memory_space<hbm>> -> memref<1x128x64xf32, #tpu.memory_space<hbm>>
    %dma_wait3A_505 = tpu.memref_squeeze %dma_wait3A_504 : memref<1x128x64xf32, #tpu.memory_space<hbm>> -> memref<128x64xf32, #tpu.memory_space<hbm>>
    %dma_wait3A_506 = arith.constant 0 : i32
    %dma_wait3A_507 = arith.constant 0 : i32
    %dma_wait3A_508 = tpu.memref_slice %arg6[%dma_wait3A_490, %dma_wait3A_506, %dma_wait3A_507] : memref<8x128x64xf32, #tpu.memory_space<vmem>> -> memref<1x128x64xf32, #tpu.memory_space<vmem>>
    %dma_wait3A_509 = tpu.memref_squeeze %dma_wait3A_508 : memref<1x128x64xf32, #tpu.memory_space<vmem>> -> memref<128x64xf32, #tpu.memory_space<vmem>>
    tpu.wait_dma2 semaphore(%dma_wait3A_501 : memref<!tpu.dma_semaphore, #tpu.memory_space<semaphore_mem>>) src(%dma_wait3A_509 : memref<128x64xf32, #tpu.memory_space<vmem>>) dst(%dma_wait3A_505 : memref<128x64xf32, #tpu.memory_space<hbm>>)
    %add3A_510 = arith.constant 196 : i32
    %add3A_511 = arith.addi %mul3A_2, %add3A_510 : i32
    %dma_wait3A_512 = arith.constant 4 : i32
    %dma_wait3A_513 = arith.constant 4 : i32
    %dma_wait3A_514 = arith.constant 0 : i32
    %dma_wait3A_515 = arith.constant 0 : i32
    %dma_wait3A_516 = tpu.memref_slice %arg6[%dma_wait3A_512, %dma_wait3A_514, %dma_wait3A_515] : memref<8x128x64xf32, #tpu.memory_space<vmem>> -> memref<1x128x64xf32, #tpu.memory_space<vmem>>
    %dma_wait3A_517 = tpu.memref_squeeze %dma_wait3A_516 : memref<1x128x64xf32, #tpu.memory_space<vmem>> -> memref<128x64xf32, #tpu.memory_space<vmem>>
    %dma_wait3A_518 = arith.constant 0 : i32
    %dma_wait3A_519 = arith.constant 0 : i32
    %dma_wait3A_520 = tpu.memref_slice %arg4[%add3A_511, %dma_wait3A_518, %dma_wait3A_519] : memref<6400x128x64xf32, #tpu.memory_space<hbm>> -> memref<1x128x64xf32, #tpu.memory_space<hbm>>
    %dma_wait3A_521 = tpu.memref_squeeze %dma_wait3A_520 : memref<1x128x64xf32, #tpu.memory_space<hbm>> -> memref<128x64xf32, #tpu.memory_space<hbm>>
    %dma_wait3A_522 = tpu.memref_slice %arg8[%dma_wait3A_513] : memref<8x!tpu.dma_semaphore, #tpu.memory_space<semaphore_mem>> -> memref<1x!tpu.dma_semaphore, #tpu.memory_space<semaphore_mem>>
    %dma_wait3A_523 = tpu.memref_squeeze %dma_wait3A_522 : memref<1x!tpu.dma_semaphore, #tpu.memory_space<semaphore_mem>> -> memref<!tpu.dma_semaphore, #tpu.memory_space<semaphore_mem>>
    %dma_wait3A_524 = arith.constant 0 : i32
    %dma_wait3A_525 = arith.constant 0 : i32
    %dma_wait3A_526 = tpu.memref_slice %arg4[%add3A_511, %dma_wait3A_524, %dma_wait3A_525] : memref<6400x128x64xf32, #tpu.memory_space<hbm>> -> memref<1x128x64xf32, #tpu.memory_space<hbm>>
    %dma_wait3A_527 = tpu.memref_squeeze %dma_wait3A_526 : memref<1x128x64xf32, #tpu.memory_space<hbm>> -> memref<128x64xf32, #tpu.memory_space<hbm>>
    %dma_wait3A_528 = arith.constant 0 : i32
    %dma_wait3A_529 = arith.constant 0 : i32
    %dma_wait3A_530 = tpu.memref_slice %arg6[%dma_wait3A_512, %dma_wait3A_528, %dma_wait3A_529] : memref<8x128x64xf32, #tpu.memory_space<vmem>> -> memref<1x128x64xf32, #tpu.memory_space<vmem>>
    %dma_wait3A_531 = tpu.memref_squeeze %dma_wait3A_530 : memref<1x128x64xf32, #tpu.memory_space<vmem>> -> memref<128x64xf32, #tpu.memory_space<vmem>>
    tpu.wait_dma2 semaphore(%dma_wait3A_523 : memref<!tpu.dma_semaphore, #tpu.memory_space<semaphore_mem>>) src(%dma_wait3A_531 : memref<128x64xf32, #tpu.memory_space<vmem>>) dst(%dma_wait3A_527 : memref<128x64xf32, #tpu.memory_space<hbm>>)
    %add3A_532 = arith.constant 197 : i32
    %add3A_533 = arith.addi %mul3A_2, %add3A_532 : i32
    %dma_wait3A_534 = arith.constant 5 : i32
    %dma_wait3A_535 = arith.constant 5 : i32
    %dma_wait3A_536 = arith.constant 0 : i32
    %dma_wait3A_537 = arith.constant 0 : i32
    %dma_wait3A_538 = tpu.memref_slice %arg6[%dma_wait3A_534, %dma_wait3A_536, %dma_wait3A_537] : memref<8x128x64xf32, #tpu.memory_space<vmem>> -> memref<1x128x64xf32, #tpu.memory_space<vmem>>
    %dma_wait3A_539 = tpu.memref_squeeze %dma_wait3A_538 : memref<1x128x64xf32, #tpu.memory_space<vmem>> -> memref<128x64xf32, #tpu.memory_space<vmem>>
    %dma_wait3A_540 = arith.constant 0 : i32
    %dma_wait3A_541 = arith.constant 0 : i32
    %dma_wait3A_542 = tpu.memref_slice %arg4[%add3A_533, %dma_wait3A_540, %dma_wait3A_541] : memref<6400x128x64xf32, #tpu.memory_space<hbm>> -> memref<1x128x64xf32, #tpu.memory_space<hbm>>
    %dma_wait3A_543 = tpu.memref_squeeze %dma_wait3A_542 : memref<1x128x64xf32, #tpu.memory_space<hbm>> -> memref<128x64xf32, #tpu.memory_space<hbm>>
    %dma_wait3A_544 = tpu.memref_slice %arg8[%dma_wait3A_535] : memref<8x!tpu.dma_semaphore, #tpu.memory_space<semaphore_mem>> -> memref<1x!tpu.dma_semaphore, #tpu.memory_space<semaphore_mem>>
    %dma_wait3A_545 = tpu.memref_squeeze %dma_wait3A_544 : memref<1x!tpu.dma_semaphore, #tpu.memory_space<semaphore_mem>> -> memref<!tpu.dma_semaphore, #tpu.memory_space<semaphore_mem>>
    %dma_wait3A_546 = arith.constant 0 : i32
    %dma_wait3A_547 = arith.constant 0 : i32
    %dma_wait3A_548 = tpu.memref_slice %arg4[%add3A_533, %dma_wait3A_546, %dma_wait3A_547] : memref<6400x128x64xf32, #tpu.memory_space<hbm>> -> memref<1x128x64xf32, #tpu.memory_space<hbm>>
    %dma_wait3A_549 = tpu.memref_squeeze %dma_wait3A_548 : memref<1x128x64xf32, #tpu.memory_space<hbm>> -> memref<128x64xf32, #tpu.memory_space<hbm>>
    %dma_wait3A_550 = arith.constant 0 : i32
    %dma_wait3A_551 = arith.constant 0 : i32
    %dma_wait3A_552 = tpu.memref_slice %arg6[%dma_wait3A_534, %dma_wait3A_550, %dma_wait3A_551] : memref<8x128x64xf32, #tpu.memory_space<vmem>> -> memref<1x128x64xf32, #tpu.memory_space<vmem>>
    %dma_wait3A_553 = tpu.memref_squeeze %dma_wait3A_552 : memref<1x128x64xf32, #tpu.memory_space<vmem>> -> memref<128x64xf32, #tpu.memory_space<vmem>>
    tpu.wait_dma2 semaphore(%dma_wait3A_545 : memref<!tpu.dma_semaphore, #tpu.memory_space<semaphore_mem>>) src(%dma_wait3A_553 : memref<128x64xf32, #tpu.memory_space<vmem>>) dst(%dma_wait3A_549 : memref<128x64xf32, #tpu.memory_space<hbm>>)
    %add3A_554 = arith.constant 198 : i32
    %add3A_555 = arith.addi %mul3A_2, %add3A_554 : i32
    %dma_wait3A_556 = arith.constant 6 : i32
    %dma_wait3A_557 = arith.constant 6 : i32
    %dma_wait3A_558 = arith.constant 0 : i32
    %dma_wait3A_559 = arith.constant 0 : i32
    %dma_wait3A_560 = tpu.memref_slice %arg6[%dma_wait3A_556, %dma_wait3A_558, %dma_wait3A_559] : memref<8x128x64xf32, #tpu.memory_space<vmem>> -> memref<1x128x64xf32, #tpu.memory_space<vmem>>
    %dma_wait3A_561 = tpu.memref_squeeze %dma_wait3A_560 : memref<1x128x64xf32, #tpu.memory_space<vmem>> -> memref<128x64xf32, #tpu.memory_space<vmem>>
    %dma_wait3A_562 = arith.constant 0 : i32
    %dma_wait3A_563 = arith.constant 0 : i32
    %dma_wait3A_564 = tpu.memref_slice %arg4[%add3A_555, %dma_wait3A_562, %dma_wait3A_563] : memref<6400x128x64xf32, #tpu.memory_space<hbm>> -> memref<1x128x64xf32, #tpu.memory_space<hbm>>
    %dma_wait3A_565 = tpu.memref_squeeze %dma_wait3A_564 : memref<1x128x64xf32, #tpu.memory_space<hbm>> -> memref<128x64xf32, #tpu.memory_space<hbm>>
    %dma_wait3A_566 = tpu.memref_slice %arg8[%dma_wait3A_557] : memref<8x!tpu.dma_semaphore, #tpu.memory_space<semaphore_mem>> -> memref<1x!tpu.dma_semaphore, #tpu.memory_space<semaphore_mem>>
    %dma_wait3A_567 = tpu.memref_squeeze %dma_wait3A_566 : memref<1x!tpu.dma_semaphore, #tpu.memory_space<semaphore_mem>> -> memref<!tpu.dma_semaphore, #tpu.memory_space<semaphore_mem>>
    %dma_wait3A_568 = arith.constant 0 : i32
    %dma_wait3A_569 = arith.constant 0 : i32
    %dma_wait3A_570 = tpu.memref_slice %arg4[%add3A_555, %dma_wait3A_568, %dma_wait3A_569] : memref<6400x128x64xf32, #tpu.memory_space<hbm>> -> memref<1x128x64xf32, #tpu.memory_space<hbm>>
    %dma_wait3A_571 = tpu.memref_squeeze %dma_wait3A_570 : memref<1x128x64xf32, #tpu.memory_space<hbm>> -> memref<128x64xf32, #tpu.memory_space<hbm>>
    %dma_wait3A_572 = arith.constant 0 : i32
    %dma_wait3A_573 = arith.constant 0 : i32
    %dma_wait3A_574 = tpu.memref_slice %arg6[%dma_wait3A_556, %dma_wait3A_572, %dma_wait3A_573] : memref<8x128x64xf32, #tpu.memory_space<vmem>> -> memref<1x128x64xf32, #tpu.memory_space<vmem>>
    %dma_wait3A_575 = tpu.memref_squeeze %dma_wait3A_574 : memref<1x128x64xf32, #tpu.memory_space<vmem>> -> memref<128x64xf32, #tpu.memory_space<vmem>>
    tpu.wait_dma2 semaphore(%dma_wait3A_567 : memref<!tpu.dma_semaphore, #tpu.memory_space<semaphore_mem>>) src(%dma_wait3A_575 : memref<128x64xf32, #tpu.memory_space<vmem>>) dst(%dma_wait3A_571 : memref<128x64xf32, #tpu.memory_space<hbm>>)
    %add3A_576 = arith.constant 199 : i32
    %add3A_577 = arith.addi %mul3A_2, %add3A_576 : i32
    %dma_wait3A_578 = arith.constant 7 : i32
    %dma_wait3A_579 = arith.constant 7 : i32
    %dma_wait3A_580 = arith.constant 0 : i32
    %dma_wait3A_581 = arith.constant 0 : i32
    %dma_wait3A_582 = tpu.memref_slice %arg6[%dma_wait3A_578, %dma_wait3A_580, %dma_wait3A_581] : memref<8x128x64xf32, #tpu.memory_space<vmem>> -> memref<1x128x64xf32, #tpu.memory_space<vmem>>
    %dma_wait3A_583 = tpu.memref_squeeze %dma_wait3A_582 : memref<1x128x64xf32, #tpu.memory_space<vmem>> -> memref<128x64xf32, #tpu.memory_space<vmem>>
    %dma_wait3A_584 = arith.constant 0 : i32
    %dma_wait3A_585 = arith.constant 0 : i32
    %dma_wait3A_586 = tpu.memref_slice %arg4[%add3A_577, %dma_wait3A_584, %dma_wait3A_585] : memref<6400x128x64xf32, #tpu.memory_space<hbm>> -> memref<1x128x64xf32, #tpu.memory_space<hbm>>
    %dma_wait3A_587 = tpu.memref_squeeze %dma_wait3A_586 : memref<1x128x64xf32, #tpu.memory_space<hbm>> -> memref<128x64xf32, #tpu.memory_space<hbm>>
    %dma_wait3A_588 = tpu.memref_slice %arg8[%dma_wait3A_579] : memref<8x!tpu.dma_semaphore, #tpu.memory_space<semaphore_mem>> -> memref<1x!tpu.dma_semaphore, #tpu.memory_space<semaphore_mem>>
    %dma_wait3A_589 = tpu.memref_squeeze %dma_wait3A_588 : memref<1x!tpu.dma_semaphore, #tpu.memory_space<semaphore_mem>> -> memref<!tpu.dma_semaphore, #tpu.memory_space<semaphore_mem>>
    %dma_wait3A_590 = arith.constant 0 : i32
    %dma_wait3A_591 = arith.constant 0 : i32
    %dma_wait3A_592 = tpu.memref_slice %arg4[%add3A_577, %dma_wait3A_590, %dma_wait3A_591] : memref<6400x128x64xf32, #tpu.memory_space<hbm>> -> memref<1x128x64xf32, #tpu.memory_space<hbm>>
    %dma_wait3A_593 = tpu.memref_squeeze %dma_wait3A_592 : memref<1x128x64xf32, #tpu.memory_space<hbm>> -> memref<128x64xf32, #tpu.memory_space<hbm>>
    %dma_wait3A_594 = arith.constant 0 : i32
    %dma_wait3A_595 = arith.constant 0 : i32
    %dma_wait3A_596 = tpu.memref_slice %arg6[%dma_wait3A_578, %dma_wait3A_594, %dma_wait3A_595] : memref<8x128x64xf32, #tpu.memory_space<vmem>> -> memref<1x128x64xf32, #tpu.memory_space<vmem>>
    %dma_wait3A_597 = tpu.memref_squeeze %dma_wait3A_596 : memref<1x128x64xf32, #tpu.memory_space<vmem>> -> memref<128x64xf32, #tpu.memory_space<vmem>>
    tpu.wait_dma2 semaphore(%dma_wait3A_589 : memref<!tpu.dma_semaphore, #tpu.memory_space<semaphore_mem>>) src(%dma_wait3A_597 : memref<128x64xf32, #tpu.memory_space<vmem>>) dst(%dma_wait3A_593 : memref<128x64xf32, #tpu.memory_space<hbm>>)
    return
  }
}

</mosaic_0001>

<sc_bundles>
// kernel: _emb_lookup.3.cloned.1.call-start
scs
__scs_entry_jumppad:
0x0: {  	(pc) =	sbr.rel $0x88, $3  }
0x1: {  	(tag) =	ssettag $0x0;
	lr =	simm.s32 $0x1  }
0x2: {  	[smem:$0x3F9F] =	sst lr;
	_ =	strace $0xD0000000  }
0x3: {  	_ = 	snop  }
0x4: {  	_ = 	snop  }
0x5: {  	_ = 	snop  }
0x6: {  	_ = 	snop  }
0x7: {  	_ = 	snop  }
__scs_overlays_trampoline_lowered:
0x8: {  	[smem:$0x3FAE] =	sst s0  }
0x9: {  	[smem:$0x3FAF] =	sst s1  }
0xa: {  	[smem:$0x3FB0] =	sst s2  }
0xb: {  	[smem:$0x3FB1] =	sst s3  }
0xc: {  	[smem:$0x3FB2] =	sst s4  }
0xd: {  	[smem:$0x3FB3] =	sst s5  }
0xe: {  	[smem:$0x3FB4] =	sst s6  }
0xf: {  	[smem:$0x3FB5] =	sst s7  }
0x10: {  	[smem:$0x3FB6] =	sst s8  }
0x11: {  	[smem:$0x3FB7] =	sst s9;
	s0 =	simm.s32 @!p0 $0x0  }
0x12: {  	s1 =	sld [smem:$0x3F9D];
	s0 =	simm.s32 @p0 $0x1  }
0x13: {  	[smem:$0x3FB8] =	sst s0;
	s0 =	simm.s32 @!p1 $0x0  }
0x14: {  	s2 =	sld [smem:$0x3F9C];
	s0 =	simm.s32 @p1 $0x1  }
0x15: {  	[smem:$0x3FB9] =	sst s0;
	s0 =	simm.s32 @!p2 $0x0  }
0x16: {  	s3 =	sld [smem:$0x3FDB];
	s0 =	simm.s32 @p2 $0x1  }
0x17: {  	s4 =	simm.s32 $0x1BF5;
	[smem:$0x3FBB] =	sst s0  }
0x18: {  	s0 =	sld [smem:$0x3F9E];
	_ =	swait.ge [sflag:s4], $0x0  }
0x19: {  	s7 =	sld [smem:$0x3F9F]  }
0x1a: {  	s8 =	sadd.s32 $0xFFFFE003, lr  }
0x1b: {  	s9 =	sadd.s32 $0xFFFFFEF7, lr;
	s5 =	simm.s32 $0xFFFFFFFF;
	p2 =	slt.u32 s8, $0xFFFFF086  }
0x1c: {  	p1 =	slt.u32 s9, $0xF7A;
	s5 =	simm.s32 @!p2 $0x0  }
0x1d: {  	s5 =	simm.s32 @p1 $0x1;
	p0 =	seq.s32 s7, s2  }
0x1e: {  	s7 =	smul.u32 @!p0 $0xF7A, s2;
	p2 =	seq.s32 @!p0 s5, $0x0  }
0x1f: {  	s9 =	smul.u32 $0xF7A, s1;
	s8 =	simm.s32 @!p0 $0x1BF5;
	p2 =	por !p2, p0  }
0x20: {  	[sflag:s8] =	ssyncset.s32 @!p0 $0xFFFFF086;
	s6 =	sadd.s32 @!p0 s3, s7;
	s7 =	simm.s32 @!p0 $0x108  }
0x21: {  	s3 =	sadd.s32 s3, s9;
	s6 =	sadd.s32 @!p0 $0x88, s6;
	s7 =	simm.s32 @p2 $0x1082  }
0x22: {  	[simem:s7], [sflag:s8] =	dma.local @!p0 [hbm:s6], $0xF7A  }
0x23: {  	s9 =	sor.u32 $0xD0000000, s2;
	s6 =	simm.s32 $0x108;
	_ =	swait.ge @!p0 [sflag:s8], $0x0  }
0x24: {  	s3 =	sadd.s32 $0x88, s3;
	s6 =	simm.s32 @!p1 $0x1082;
	[sflag:s4] =	ssyncset.s32 $0xFFFFF086  }
0x25: {  	[simem:s6], [sflag:s4] =	dma.local [hbm:s3], $0xF7A  }
0x26: {  	[smem:$0x3F9F] =	sst s1;
	(tag) =	ssettag s2;
	_ =	strace s9  }
0x27: {  	s1 =	sld [smem:$0x3FAF]  }
0x28: {  	s2 =	sld [smem:$0x3FB0]  }
0x29: {  	s4 =	sld [smem:$0x3FB2]  }
0x2a: {  	p0 =	seq.s32 s5, $0x0;
	s5 =	sld [smem:$0x3FB3]  }
0x2b: {  	s6 =	sld [smem:$0x3FB4]  }
0x2c: {  	s7 =	sld [smem:$0x3FB5]  }
0x2d: {  	s3 =	simm.s32 $0x108;
	s8 =	sld [smem:$0x3FB6]  }
0x2e: {  	s3 =	simm.s32 @!p0 $0x1082;
	s9 =	sld [smem:$0x3FB7]  }
0x2f: {  	lr =	sadd.s32 s0, s3;
	s0 =	sld [smem:$0x3FAE]  }
0x30: {  	s3 =	sld [smem:$0x3FB1]  }
0x31: {  	[smem:$0x3FBA] =	sst s10  }
0x32: {  	s10 =	sld [smem:$0x3FB8];
	_ =	sdelay $0x3  }
0x33: {  	p0 =	seq.s32 s10, $0x1;
	s10 =	sld [smem:$0x3FBA];
	_ =	sdelay $0x3  }
0x34: {  	[smem:$0x3FBA] =	sst s10  }
0x35: {  	s10 =	sld [smem:$0x3FB9];
	_ =	sdelay $0x3  }
0x36: {  	p1 =	seq.s32 s10, $0x1;
	s10 =	sld [smem:$0x3FBA];
	_ =	sdelay $0x3  }
0x37: {  	[smem:$0x3FBA] =	sst s10  }
0x38: {  	s10 =	sld [smem:$0x3FBB]  }
0x39: {  	_ = 	snop;
	(pc) =	sbr.ind lr, $3  }
0x3a: {  	_ = 	snop  }
0x3b: {  	_ = 	snop  }
0x3c: {  	p2 =	seq.s32 s10, $0x1;
	s10 =	sld [smem:$0x3FBA]  }
0x3d: {  	_ =	shalt  }
0x3e: {  	_ =	shalt  }
0x3f: {  	_ =	shalt  }
0x40: {  	_ =	shalt  }
0x41: {  	_ =	shalt  }
0x42: {  	_ =	shalt  }
0x43: {  	_ =	shalt  }
0x44: {  	_ =	shalt  }
0x45: {  	_ =	shalt  }
0x46: {  	_ =	shalt  }
0x47: {  	_ =	shalt  }
0x48: {  	_ =	shalt  }
0x49: {  	_ =	shalt  }
0x4a: {  	_ =	shalt  }
0x4b: {  	_ =	shalt  }
0x4c: {  	_ =	shalt  }
0x4d: {  	_ =	shalt  }
0x4e: {  	_ =	shalt  }
0x4f: {  	_ =	shalt  }
0x50: {  	_ =	shalt  }
0x51: {  	_ =	shalt  }
0x52: {  	_ =	shalt  }
0x53: {  	_ =	shalt  }
0x54: {  	_ =	shalt  }
0x55: {  	_ =	shalt  }
0x56: {  	_ =	shalt  }
0x57: {  	_ =	shalt  }
0x58: {  	_ =	shalt  }
0x59: {  	_ =	shalt  }
0x5a: {  	_ =	shalt  }
0x5b: {  	_ =	shalt  }
0x5c: {  	_ =	shalt  }
0x5d: {  	_ =	shalt  }
0x5e: {  	_ =	shalt  }
0x5f: {  	_ =	shalt  }
0x60: {  	_ =	shalt  }
0x61: {  	_ =	shalt  }
0x62: {  	_ =	shalt  }
0x63: {  	_ =	shalt  }
0x64: {  	_ =	shalt  }
0x65: {  	_ =	shalt  }
0x66: {  	_ =	shalt  }
0x67: {  	_ =	shalt  }
0x68: {  	_ =	shalt  }
0x69: {  	_ =	shalt  }
0x6a: {  	_ =	shalt  }
0x6b: {  	_ =	shalt  }
0x6c: {  	_ =	shalt  }
0x6d: {  	_ =	shalt  }
0x6e: {  	_ =	shalt  }
0x6f: {  	_ =	shalt  }
0x70: {  	_ =	shalt  }
0x71: {  	_ =	shalt  }
0x72: {  	_ =	shalt  }
0x73: {  	_ =	shalt  }
0x74: {  	_ =	shalt  }
0x75: {  	_ =	shalt  }
0x76: {  	_ =	shalt  }
0x77: {  	_ =	shalt  }
0x78: {  	_ =	shalt  }
0x79: {  	_ =	shalt  }
0x7a: {  	_ =	shalt  }
0x7b: {  	_ =	shalt  }
0x7c: {  	_ =	shalt  }
0x7d: {  	_ =	shalt  }
0x7e: {  	_ =	shalt  }
0x7f: {  	_ =	shalt  }
0x80: {  	_ =	shalt  }
0x81: {  	_ =	shalt  }
0x82: {  	_ =	shalt  }
0x83: {  	_ =	shalt  }
0x84: {  	_ =	shalt  }
0x85: {  	_ =	shalt  }
0x86: {  	_ =	shalt  }
0x87: {  	_ =	shalt  }
.Lfunc_end0:
.L_simem_size_0:
called_computation.1_lowered:
.L_overlay_start_0:
0x88: {  	s2 =	sld [smem:$0x3FD9]  }
0x89: {  	s3 =	sld [smem:$0x3FFE];
	_ =	sdelay $0x1  }
0x8a: {  	s1 =	srdreg.scid  }
0x8b: {  	s0 =	sand.u32 $0x1, s1  }
0x8c: {  	s17 =	sshll.u32 s0, $0xA;
	s2 =	sadd.s32 s3, s2  }
0x8d: {  	s2 =	sadd.s32 s2, s17  }
0x8e: {  	[smem:$0x3FC6] =	sst s2  }
0x8f: {  	_ = 	snop  }
0x90: {  	s2 =	sld [smem:$0x3FC9]  }
0x91: {  	s18 =	sld [smem:$0x3FD0];
	(tm) =	ssettm $0x1  }
0x92: {  	s4 =	sld [smem:$0x3FFB];
	_ =	sdelay $0x3  }
0x93: {  	_ =	strace s4  }
0x94: {  	s4 =	sld [smem:$0x3FFC];
	_ =	sdelay $0x3  }
0x95: {  	_ =	strace s4  }
0x96: {  	s4 =	sld [smem:$0x3FFD];
	_ =	sdelay $0x3  }
0x97: {  	_ =	strace s4  }
0x98: {  	_ =	strace $0x8FFFFFFF  }
0x99: {  	s19 =	sld [smem:$0x3FDB];
	_ =	sdelay $0x1  }
0x9a: {  	s5 =	simm.s32 $_scs_section_size  }
0x9b: {  	s6 =	simm.s32 $_size__tile_overlayer_lowered;
	s7 =	simm.s32 $_tile_overlayer_lowered  }
0x9c: {  	s22 =	simm.s32 $0x1BFF;
	s21 =	sshll.u32 s7, $0x1;
	s4 =	sadd.s32 s5, s19  }
0x9d: {  	s8 =	simm.s32 $0x0;
	s20 =	sshll.u32 s6, $0x1;
	s6 =	sadd.s32 s21, s4  }
0x9e: {  	[timem:s8], [sflag:s22] =	dma.local [hbm:s6], s20  }
0x9f: {  	_ =	swait.ge [sflag:s22], s20  }
0xa0: {  	s5 =	ssub.s32 $0x0, s20;
	[sflag:s22] =	ssyncset.done $0x0  }
0xa1: {  	[sflag:s22] =	ssyncadd.s32 s5;
	_ =	sdelay $0x1  }
0xa2: {  	s23 =	simm.s32 $0x1B8B  }
0xa3: {  	_ =	swait.ge [sflag:s23], $0x1  }
0xa4: {  	[sflag:s23] =	ssyncset.done $0x0  }
0xa5: {  	s25 =	simm.s32 $0x1B8E;
	s24 =	sld [smem:$0x3FFE];
	[sflag:s23] =	ssyncadd.s32 $0xFFFFFFFF  }
0xa6: {  	s26 =	simm.s32 $execute0_lowered;
	[smem:$0x3FD2] =	sst s25  }
0xa7: {  	s6 =	sshll.u32 s26, $0x1;
	_ =	strace $0x80000046;
	[dreg:$0x1] =	wrdreg $0xFFFFFFFF  }
0xa8: {  	s28 =	simm.s32 $_size_execute0_lowered;
	s4 =	sadd.s32 s4, s6;
	[dreg:$0x0] =	wrdreg $0x0  }
0xa9: {  	s6 =	sshll.u32 s28, $0x1;
	[dreg:$0x2] =	wrdreg s4  }
0xaa: {  	[dreg:$0x3] =	wrdreg s6  }
0xab: {  	[dreg:$0x4] =	wrdreg $0xC0  }
0xac: {  	_ =	task [dreg:s8], $0x5FFFF  }
0xad: {  	[dreg:$0x1] =	wrdreg $0xFFFFFFFF  }
0xae: {  	[dreg:$0x0] =	wrdreg $0x60  }
0xaf: {  	[dreg:$0x2] =	wrdreg s2  }
0xb0: {  	[dreg:$0x3] =	wrdreg s24  }
0xb1: {  	[dreg:$0x4] =	wrdreg s18  }
0xb2: {  	[dreg:$0x5] =	wrdreg $0x9  }
0xb3: {  	_ =	task.clear_ibuf [dreg:s8], $0x6FFFF;
	_ =	strace $0x90000046  }
0xb4: {  	s29 =	simm.s32 $0x9;
	_ =	strace $0x80000048  }
0xb5: {  	_ =	swait.ge [sflag:s29], $0x1  }
0xb6: {  	[sflag:s29] =	ssyncadd.s32 $0xFFFFFFFF  }
0xb7: {  	_ =	strace $0x90000048  }
0xb8: {  	_ =	sfence  }
0xb9: {  	s30 =	sld [smem:$0x0];
	_ =	sdelay $0x2  }
0xba: {  	s31 =	sshll.u32 s1, $0xD;
	s1 =	sshrl.u32 s1, $0x2  }
0xbb: {  	s3 =	sand.u32 $0x4000, s31;
	s1 =	sadd.s32 s1, s30  }
0xbc: {  	s0 =	sor.u32 s3, s0;
	s1 =	sshll.u32 s1, $0x11  }
0xbd: {  	s0 =	sor.u32 s1, s0  }
0xbe: {  	s0 =	sadd.s32 $0x8F2B, s0  }
0xbf: {  	[sflag:s0] =	ssyncadd.remote.s32 $0x1  }
0xc0: {  	_ =	sfence.sel $0xFFFF  }
0xc1: {  	[dreg:$0x0] =	wrdreg $0xFFFFFFFF;
	(pc) =	sbr.abs _section_cstart, $3  }
0xc2: {  	[dreg:$0x1] =	wrdreg $0xFFFFFFFF  }
0xc3: {  	_ =	task.clear_ibuf [dreg:s8], $0x2FFFF;
	_ =	strace $0x9FFFFFFF  }
0xc4: {  	(tm) =	ssettm $0x7FFFFFFF  }
0xc5: {  	_ =	shalt  }
tec
execute0_lowered:
.L_overlay_start_1:
0x0: {  	(tag) =	ssettag $0x1  }
0x1: {  	s0 =	rddreg [dreg:$0x0]  }
0x2: {  	s1 =	rddreg [dreg:$0x1]  }
0x3: {  	s2 =	srdreg.scid;
	s10 =	stileid.u32  }
0x4: {  	s11 =	rddreg [dreg:$0x2];
	s3 =	simm.s32 $0x0;
	s29 =	simm.s32 $0x6  }
0x5: {  	s31 =	simm.s32 $0x7;
	s2 =	sand.u32 $0x1, s2;
	s23 =	smul.u32 $0x64000, s10  }
0x6: {  	s12 =	simm.s32 $0xE;
	s4 =	sshll.u32 s10, $0x1;
	s9 =	smul.u32 $0xC8, s2  }
0x7: {  	s4 =	sor.u32 s2, s4;
	s15 =	ssub.s32 $0x2, s2;
	s2 =	smul.u32 $0x32000, s2  }
0x8: {  	s13 =	simm.s32 $0xF;
	[smem:$0x7FF] =	sst s3;
	s5 =	smul.u32 $0xC80, s4  }
0x9: {  	_ =	strace $0x80000047;
	s6 =	smul.u32 $0x190000, s4;
	s8 =	sshrl.u32 s15, $0x1  }
0xa: {  	s4 =	sadd.s32 $0xF42C00, s1;
	s1 =	ssub.s32 s15, s8;
	s2 =	sadd.s32 s2, s23  }
0xb: {  	s6 =	sshrl.u32 s6, $0x3;
	s0 =	sadd.s32 s0, s5;
	[dreg:$0x7] =	wrdreg s2  }
0xc: {  	s30 =	smax.u32 s1, $0x1;
	[dreg:$0x8] =	wrdreg s0;
	s16 =	sadd.s32 s11, s6  }
0xd: {  	s7 =	smul.u32 $0x190, s10;
	[dreg:$0x11] =	wrdreg s30;
	s17 =	sadd.s32 $0x30000, s16  }
0xe: {  	s14 =	simm.s32 $0x10;
	s18 =	sadd.s32 $0x30400, s16;
	[dreg:$0x9] =	wrdreg s17  }
0xf: {  	s19 =	sadd.s32 s9, s7;
	s6 =	sadd.s32 $0x30800, s16;
	[dreg:$0xa] =	wrdreg s18  }
0x10: {  	s7 =	simm.s32 $0xA;
	s20 =	sadd.s32 $0x30C00, s16;
	[dreg:$0xb] =	wrdreg s6  }
0x11: {  	s8 =	simm.s32 $0xB;
	s21 =	sadd.s32 $0x31000, s16;
	[dreg:$0xc] =	wrdreg s20  }
0x12: {  	s9 =	simm.s32 $0xC;
	s25 =	sadd.s32 $0x31400, s16;
	[dreg:$0xd] =	wrdreg s21  }
0x13: {  	s5 =	simm.s32 $0x8;
	s28 =	sadd.s32 $0x31800, s16;
	[dreg:$0xe] =	wrdreg s25  }
0x14: {  	s0 =	sadd.s32 $0x31C00, s16;
	s18 =	sshll.u32 s19, $0xA;
	[dreg:$0xf] =	wrdreg s28  }
0x15: {  	s11 =	simm.s32 $0xD;
	[dreg:$0x10] =	wrdreg s0;
	s22 =	sor.u32 $0x1800, s18  }
0x16: {  	s17 =	simm.s32 $0x80;
	s24 =	sor.u32 $0x1000, s18;
	[dreg:$0x4] =	wrdreg s22  }
0x17: {  	s6 =	simm.s32 $0x9;
	s26 =	sor.u32 $0x800, s18;
	[dreg:$0x5] =	wrdreg s24  }
0x18: {  	s0 =	simm.s32 $0x0;
	s20 =	simm.s32 $0x14400;
	[dreg:$0x6] =	wrdreg s26  }
0x19: {  	s22 =	simm.s32 $0x3;
	s24 =	simm.s32 $0x4;
	s26 =	simm.s32 $0x5  }
.LBB2_1:
0x1a: {  	[dreg:$0x12] =	wrdreg s0  }
0x1b: {  	s2 =	rddreg [dreg:$0x8];
	s28 =	simm.s32 $0x11  }
0x1c: {  	[tilespmem:s3], [sflag:$0x11] =	stream.linear.gather [hbm4b:s2+s3], $0x6400, $0x38;
	[tilespmem:$0x16400] =	vst v63  }
0x1d: {  	_ =	swait.ge [sflag:s28], $0x6400  }
0x1e: {  	[sflag:s28] =	ssyncset.done $0x0  }
0x1f: {  	s16 =	simm.s32 $0x6400;
	[sflag:s28] =	ssyncadd.s32 $0xFFFF9C00  }
0x20: {  	[tilespmem:s16], [sflag:$0x1] =	stream.indirect.gather [hbm4b:s4+s17], $0x40, s3, s17, $0xb8;
	[tilespmem:$0x16400] =	vst v63  }
0x21: {  	s19 =	simm.s32 $0x8400  }
0x22: {  	[tilespmem:s19], [sflag:$0x2] =	stream.indirect.gather [hbm4b:s4+s17], $0x40, s17, s17, $0xb8;
	[tilespmem:$0x16400] =	vst v63  }
0x23: {  	s30 =	simm.s32 $0x100;
	s21 =	simm.s32 $0xA400  }
0x24: {  	[tilespmem:s21], [sflag:$0x3] =	stream.indirect.gather [hbm4b:s4+s17], $0x40, s30, s17, $0xb8;
	[tilespmem:$0x16400] =	vst v63  }
0x25: {  	s0 =	simm.s32 $0x180;
	s23 =	simm.s32 $0xC400  }
0x26: {  	[tilespmem:s23], [sflag:$0x4] =	stream.indirect.gather [hbm4b:s4+s17], $0x40, s0, s17, $0xb8;
	[tilespmem:$0x16400] =	vst v63  }
0x27: {  	s1 =	simm.s32 $0x200;
	s25 =	simm.s32 $0xE400  }
0x28: {  	[tilespmem:s25], [sflag:$0x5] =	stream.indirect.gather [hbm4b:s4+s17], $0x40, s1, s17, $0xb8;
	[tilespmem:$0x16400] =	vst v63  }
0x29: {  	s10 =	simm.s32 $0x280;
	s28 =	simm.s32 $0x10400  }
0x2a: {  	[tilespmem:s28], [sflag:$0x6] =	stream.indirect.gather [hbm4b:s4+s17], $0x40, s10, s17, $0xb8;
	[tilespmem:$0x16400] =	vst v63  }
0x2b: {  	s30 =	simm.s32 $0x12400;
	s1 =	simm.s32 $0x300  }
0x2c: {  	[tilespmem:s30], [sflag:$0x7] =	stream.indirect.gather [hbm4b:s4+s17], $0x40, s1, s17, $0xb8;
	[tilespmem:$0x16400] =	vst v63  }
0x2d: {  	s15 =	simm.s32 $0x380;
	s2 =	simm.s32 $0x1;
	s1 =	simm.s32 $0x14400  }
0x2e: {  	[tilespmem:s1], [sflag:$0x8] =	stream.indirect.gather [hbm4b:s4+s17], $0x40, s15, s17, $0xb8;
	[tilespmem:$0x16400] =	vst v63  }
0x2f: {  	_ =	swait.ge [sflag:s2], $0x2000  }
0x30: {  	[sflag:s2] =	ssyncset.done $0x0  }
0x31: {  	s10 =	rddreg [dreg:$0x7];
	[sflag:s2] =	ssyncadd.s32 $0xFFFFE000  }
0x32: {  	s15 =	rddreg [dreg:$0x2]  }
0x33: {  	s2 =	sadd.s32 s15, s10;
	s10 =	simm.s32 $0x2  }
0x34: {  	[hbm4b:s2+s3] =	stream.linear.scatter [tilespmem:s16], [sflag:$0x9], $0x2000, $0x38;
	[tilespmem:$0x16400] =	vst v63  }
0x35: {  	_ =	swait.ge [sflag:s10], $0x2000  }
0x36: {  	s2 =	sadd.s32 s15, s18;
	[sflag:s10] =	ssyncset.done $0x0  }
0x37: {  	[sflag:s10] =	ssyncadd.s32 $0xFFFFE000;
	s10 =	sadd.s32 $0x400, s2  }
0x38: {  	[hbm4b:s10+s3] =	stream.linear.scatter [tilespmem:s19], [sflag:$0xA], $0x2000, $0x38;
	[tilespmem:$0x16400] =	vst v63  }
0x39: {  	_ =	swait.ge [sflag:s22], $0x2000  }
0x3a: {  	s0 =	rddreg [dreg:$0x6];
	[sflag:s22] =	ssyncset.done $0x0  }
0x3b: {  	[sflag:s22] =	ssyncadd.s32 $0xFFFFE000;
	s10 =	sadd.s32 s15, s0  }
0x3c: {  	[hbm4b:s10+s3] =	stream.linear.scatter [tilespmem:s21], [sflag:$0xB], $0x2000, $0x38;
	[tilespmem:$0x16400] =	vst v63  }
0x3d: {  	_ =	swait.ge [sflag:s24], $0x2000  }
0x3e: {  	[sflag:s24] =	ssyncset.done $0x0  }
0x3f: {  	s0 =	sadd.s32 $0xC00, s2;
	[sflag:s24] =	ssyncadd.s32 $0xFFFFE000  }
0x40: {  	[hbm4b:s0+s3] =	stream.linear.scatter [tilespmem:s23], [sflag:$0xC], $0x2000, $0x38;
	[tilespmem:$0x16400] =	vst v63  }
0x41: {  	_ =	swait.ge [sflag:s26], $0x2000  }
0x42: {  	s0 =	rddreg [dreg:$0x5];
	[sflag:s26] =	ssyncset.done $0x0  }
0x43: {  	[sflag:s26] =	ssyncadd.s32 $0xFFFFE000;
	s10 =	sadd.s32 s15, s0  }
0x44: {  	[hbm4b:s10+s3] =	stream.linear.scatter [tilespmem:s25], [sflag:$0xD], $0x2000, $0x38;
	[tilespmem:$0x16400] =	vst v63  }
0x45: {  	_ =	swait.ge [sflag:s29], $0x2000  }
0x46: {  	[sflag:s29] =	ssyncset.done $0x0  }
0x47: {  	s0 =	sadd.s32 $0x1400, s2;
	[sflag:s29] =	ssyncadd.s32 $0xFFFFE000  }
0x48: {  	[hbm4b:s0+s3] =	stream.linear.scatter [tilespmem:s28], [sflag:$0xE], $0x2000, $0x38;
	[tilespmem:$0x16400] =	vst v63  }
0x49: {  	_ =	swait.ge [sflag:s31], $0x2000  }
0x4a: {  	s0 =	rddreg [dreg:$0x4];
	[sflag:s31] =	ssyncset.done $0x0  }
0x4b: {  	[sflag:s31] =	ssyncadd.s32 $0xFFFFE000;
	s10 =	sadd.s32 s15, s0  }
0x4c: {  	[hbm4b:s10+s3] =	stream.linear.scatter [tilespmem:s30], [sflag:$0xF], $0x2000, $0x38;
	[tilespmem:$0x16400] =	vst v63  }
0x4d: {  	_ =	swait.ge [sflag:s5], $0x2000  }
0x4e: {  	[sflag:s5] =	ssyncset.done $0x0  }
0x4f: {  	s2 =	sadd.s32 $0x1C00, s2;
	[sflag:s5] =	ssyncadd.s32 $0xFFFFE000  }
0x50: {  	[hbm4b:s2+s3] =	stream.linear.scatter [tilespmem:s1], [sflag:$0x10], $0x2000, $0x38;
	[tilespmem:$0x16400] =	vst v63  }
0x51: {  	_ =	swait.ge [sflag:s6], $0x2000  }
0x52: {  	[sflag:s6] =	ssyncset.done $0x0  }
0x53: {  	s10 =	simm.s32 $0x400;
	[sflag:s6] =	ssyncadd.s32 $0xFFFFE000  }
0x54: {  	[tilespmem:s16], [sflag:$0x1] =	stream.indirect.gather [hbm4b:s4+s17], $0x40, s10, s17, $0xb8;
	[tilespmem:$0x16400] =	vst v63  }
0x55: {  	_ =	swait.ge [sflag:s7], $0x2000  }
0x56: {  	[sflag:s7] =	ssyncset.done $0x0  }
0x57: {  	s16 =	simm.s32 $0x480;
	[sflag:s7] =	ssyncadd.s32 $0xFFFFE000  }
0x58: {  	[tilespmem:s19], [sflag:$0x2] =	stream.indirect.gather [hbm4b:s4+s17], $0x40, s16, s17, $0xb8;
	[tilespmem:$0x16400] =	vst v63  }
0x59: {  	_ =	swait.ge [sflag:s8], $0x2000  }
0x5a: {  	[sflag:s8] =	ssyncset.done $0x0  }
0x5b: {  	s19 =	simm.s32 $0x500;
	[sflag:s8] =	ssyncadd.s32 $0xFFFFE000  }
0x5c: {  	[tilespmem:s21], [sflag:$0x3] =	stream.indirect.gather [hbm4b:s4+s17], $0x40, s19, s17, $0xb8;
	[tilespmem:$0x16400] =	vst v63  }
0x5d: {  	_ =	swait.ge [sflag:s9], $0x2000  }
0x5e: {  	[sflag:s9] =	ssyncset.done $0x0  }
0x5f: {  	s21 =	simm.s32 $0x580;
	[sflag:s9] =	ssyncadd.s32 $0xFFFFE000  }
0x60: {  	[tilespmem:s23], [sflag:$0x4] =	stream.indirect.gather [hbm4b:s4+s17], $0x40, s21, s17, $0xb8;
	[tilespmem:$0x16400] =	vst v63  }
0x61: {  	_ =	swait.ge [sflag:s11], $0x2000  }
0x62: {  	[sflag:s11] =	ssyncset.done $0x0  }
0x63: {  	s23 =	simm.s32 $0x600;
	[sflag:s11] =	ssyncadd.s32 $0xFFFFE000  }
0x64: {  	[tilespmem:s25], [sflag:$0x5] =	stream.indirect.gather [hbm4b:s4+s17], $0x40, s23, s17, $0xb8;
	[tilespmem:$0x16400] =	vst v63  }
0x65: {  	_ =	swait.ge [sflag:s12], $0x2000  }
0x66: {  	[sflag:s12] =	ssyncset.done $0x0  }
0x67: {  	s25 =	simm.s32 $0x680;
	[sflag:s12] =	ssyncadd.s32 $0xFFFFE000  }
0x68: {  	[tilespmem:s28], [sflag:$0x6] =	stream.indirect.gather [hbm4b:s4+s17], $0x40, s25, s17, $0xb8;
	[tilespmem:$0x16400] =	vst v63  }
0x69: {  	_ =	swait.ge [sflag:s13], $0x2000  }
0x6a: {  	[sflag:s13] =	ssyncset.done $0x0  }
0x6b: {  	s28 =	simm.s32 $0x700;
	[sflag:s13] =	ssyncadd.s32 $0xFFFFE000  }
0x6c: {  	[tilespmem:s30], [sflag:$0x7] =	stream.indirect.gather [hbm4b:s4+s17], $0x40, s28, s17, $0xb8;
	[tilespmem:$0x16400] =	vst v63  }
0x6d: {  	_ =	swait.ge [sflag:s14], $0x2000  }
0x6e: {  	s2 =	sadd.s32 $0x2000, s15;
	[sflag:s14] =	ssyncset.done $0x0  }
0x6f: {  	s10 =	simm.s32 $0x780;
	s16 =	simm.s32 $0x1000;
	[sflag:s14] =	ssyncadd.s32 $0xFFFFE000  }
.LBB2_2:
0x70: {  	[tilespmem:s20], [sflag:$0x8] =	stream.indirect.gather [hbm4b:s4+s17], $0x40, s10, s17, $0xb8;
	[tilespmem:$0x16400] =	vst v63  }
0x71: {  	s0 =	simm.s32 $0x1  }
0x72: {  	_ =	swait.ge [sflag:s0], $0x2000  }
0x73: {  	s21 =	simm.s32 $0x6400;
	s23 =	rddreg [dreg:$0x7];
	[sflag:s0] =	ssyncset.done $0x0  }
0x74: {  	s25 =	simm.s32 $0x2;
	[sflag:s0] =	ssyncadd.s32 $0xFFFFE000;
	s10 =	sadd.s32 s2, s23  }
0x75: {  	[hbm4b:s10+s3] =	stream.linear.scatter [tilespmem:s21], [sflag:$0x9], $0x2000, $0x38;
	[tilespmem:$0x16400] =	vst v63  }
0x76: {  	_ =	swait.ge [sflag:s25], $0x2000  }
0x77: {  	s10 =	sadd.s32 s2, s18;
	[sflag:s25] =	ssyncset.done $0x0  }
0x78: {  	s23 =	simm.s32 $0x8400;
	s1 =	sadd.s32 $0x400, s10;
	[sflag:s25] =	ssyncadd.s32 $0xFFFFE000  }
0x79: {  	[hbm4b:s1+s3] =	stream.linear.scatter [tilespmem:s23], [sflag:$0xA], $0x2000, $0x38;
	[tilespmem:$0x16400] =	vst v63  }
0x7a: {  	_ =	swait.ge [sflag:s22], $0x2000  }
0x7b: {  	s19 =	smov.u32 s18;
	s25 =	rddreg [dreg:$0x6];
	[sflag:s22] =	ssyncset.done $0x0  }
0x7c: {  	[sflag:s22] =	ssyncadd.s32 $0xFFFFE000;
	s18 =	sadd.s32 s2, s25;
	s25 =	simm.s32 $0xA400  }
0x7d: {  	[hbm4b:s18+s3] =	stream.linear.scatter [tilespmem:s25], [sflag:$0xB], $0x2000, $0x38;
	[tilespmem:$0x16400] =	vst v63  }
0x7e: {  	_ =	swait.ge [sflag:s24], $0x2000  }
0x7f: {  	[sflag:s24] =	ssyncset.done $0x0  }
0x80: {  	s28 =	simm.s32 $0xC400;
	s0 =	sadd.s32 $0xC00, s10;
	[sflag:s24] =	ssyncadd.s32 $0xFFFFE000  }
0x81: {  	[hbm4b:s0+s3] =	stream.linear.scatter [tilespmem:s28], [sflag:$0xC], $0x2000, $0x38;
	[tilespmem:$0x16400] =	vst v63  }
0x82: {  	_ =	swait.ge [sflag:s26], $0x2000  }
0x83: {  	s1 =	rddreg [dreg:$0x5];
	[sflag:s26] =	ssyncset.done $0x0  }
0x84: {  	s30 =	simm.s32 $0xE400;
	[sflag:s26] =	ssyncadd.s32 $0xFFFFE000;
	s18 =	sadd.s32 s2, s1  }
0x85: {  	[hbm4b:s18+s3] =	stream.linear.scatter [tilespmem:s30], [sflag:$0xD], $0x2000, $0x38;
	[tilespmem:$0x16400] =	vst v63  }
0x86: {  	_ =	swait.ge [sflag:s29], $0x2000  }
0x87: {  	[sflag:s29] =	ssyncset.done $0x0  }
0x88: {  	s0 =	sadd.s32 $0x1400, s10;
	s1 =	simm.s32 $0x10400;
	[sflag:s29] =	ssyncadd.s32 $0xFFFFE000  }
0x89: {  	[hbm4b:s0+s3] =	stream.linear.scatter [tilespmem:s1], [sflag:$0xE], $0x2000, $0x38;
	[tilespmem:$0x16400] =	vst v63  }
0x8a: {  	_ =	swait.ge [sflag:s31], $0x2000  }
0x8b: {  	s0 =	rddreg [dreg:$0x4];
	[sflag:s31] =	ssyncset.done $0x0  }
0x8c: {  	[sflag:s31] =	ssyncadd.s32 $0xFFFFE000;
	s18 =	sadd.s32 s2, s0;
	s0 =	simm.s32 $0x12400  }
0x8d: {  	[hbm4b:s18+s3] =	stream.linear.scatter [tilespmem:s0], [sflag:$0xF], $0x2000, $0x38;
	[tilespmem:$0x16400] =	vst v63  }
0x8e: {  	_ =	swait.ge [sflag:s5], $0x2000  }
0x8f: {  	[sflag:s5] =	ssyncset.done $0x0  }
0x90: {  	s10 =	sadd.s32 $0x1C00, s10;
	[sflag:s5] =	ssyncadd.s32 $0xFFFFE000  }
0x91: {  	[hbm4b:s10+s3] =	stream.linear.scatter [tilespmem:s20], [sflag:$0x10], $0x2000, $0x38;
	[tilespmem:$0x16400] =	vst v63  }
0x92: {  	s15 =	smov.u32 s16;
	_ =	swait.ge [sflag:s6], $0x2000  }
0x93: {  	s10 =	sshra.s32 s15, $0x2;
	[sflag:s6] =	ssyncset.done $0x0  }
0x94: {  	s15 =	sadd.s32 $0x400, s10;
	[sflag:s6] =	ssyncadd.s32 $0xFFFFE000  }
0x95: {  	[tilespmem:s21], [sflag:$0x1] =	stream.indirect.gather [hbm4b:s4+s17], $0x40, s15, s17, $0xb8;
	[tilespmem:$0x16400] =	vst v63  }
0x96: {  	_ =	swait.ge [sflag:s7], $0x2000  }
0x97: {  	[sflag:s7] =	ssyncset.done $0x0  }
0x98: {  	s15 =	sadd.s32 $0x480, s10;
	[sflag:s7] =	ssyncadd.s32 $0xFFFFE000  }
0x99: {  	[tilespmem:s23], [sflag:$0x2] =	stream.indirect.gather [hbm4b:s4+s17], $0x40, s15, s17, $0xb8;
	[tilespmem:$0x16400] =	vst v63  }
0x9a: {  	_ =	swait.ge [sflag:s8], $0x2000  }
0x9b: {  	[sflag:s8] =	ssyncset.done $0x0  }
0x9c: {  	s15 =	sadd.s32 $0x500, s10;
	[sflag:s8] =	ssyncadd.s32 $0xFFFFE000  }
0x9d: {  	[tilespmem:s25], [sflag:$0x3] =	stream.indirect.gather [hbm4b:s4+s17], $0x40, s15, s17, $0xb8;
	[tilespmem:$0x16400] =	vst v63  }
0x9e: {  	_ =	swait.ge [sflag:s9], $0x2000  }
0x9f: {  	[sflag:s9] =	ssyncset.done $0x0  }
0xa0: {  	s15 =	sadd.s32 $0x580, s10;
	[sflag:s9] =	ssyncadd.s32 $0xFFFFE000  }
0xa1: {  	[tilespmem:s28], [sflag:$0x4] =	stream.indirect.gather [hbm4b:s4+s17], $0x40, s15, s17, $0xb8;
	[tilespmem:$0x16400] =	vst v63  }
0xa2: {  	_ =	swait.ge [sflag:s11], $0x2000  }
0xa3: {  	[sflag:s11] =	ssyncset.done $0x0  }
0xa4: {  	s15 =	sadd.s32 $0x600, s10;
	[sflag:s11] =	ssyncadd.s32 $0xFFFFE000  }
0xa5: {  	[tilespmem:s30], [sflag:$0x5] =	stream.indirect.gather [hbm4b:s4+s17], $0x40, s15, s17, $0xb8;
	[tilespmem:$0x16400] =	vst v63  }
0xa6: {  	_ =	swait.ge [sflag:s12], $0x2000  }
0xa7: {  	p0 =	sne.s32 s16, $0x17000;
	[sflag:s12] =	ssyncset.done $0x0  }
0xa8: {  	s16 =	sadd.s32 $0x1000, s16;
	s15 =	sadd.s32 $0x680, s10;
	[sflag:s12] =	ssyncadd.s32 $0xFFFFE000  }
0xa9: {  	[tilespmem:s1], [sflag:$0x6] =	stream.indirect.gather [hbm4b:s4+s17], $0x40, s15, s17, $0xb8;
	[tilespmem:$0x16400] =	vst v63  }
0xaa: {  	s2 =	sadd.s32 $0x2000, s2;
	s18 =	smov.u32 s19;
	_ =	swait.ge [sflag:s13], $0x2000  }
0xab: {  	s19 =	simm.s32 $0x6400;
	s21 =	simm.s32 $0x8400;
	[sflag:s13] =	ssyncset.done $0x0  }
.Ltmp0:
0xac: {  	s15 =	sadd.s32 $0x700, s10;
	[sflag:s13] =	ssyncadd.s32 $0xFFFFE000;
	(pc) =	sbr.rel @p0 .LBB2_2-.Ltmp0, $4  }
0xad: {  	[tilespmem:s0], [sflag:$0x7] =	stream.indirect.gather [hbm4b:s4+s17], $0x40, s15, s17, $0xb8;
	[tilespmem:$0x16400] =	vst v63  }
0xae: {  	s23 =	simm.s32 $0xA400;
	s25 =	simm.s32 $0xC400;
	_ =	swait.ge [sflag:s14], $0x2000  }
0xaf: {  	s28 =	simm.s32 $0xE400;
	s30 =	simm.s32 $0x10400;
	[sflag:s14] =	ssyncset.done $0x0  }
0xb0: {  	s1 =	simm.s32 $0x12400;
	s10 =	sadd.s32 $0x780, s10;
	[sflag:s14] =	ssyncadd.s32 $0xFFFFE000  }
0xb1: {  	s0 =	simm.s32 $0x14400;
	s2 =	simm.s32 $0x1  }
0xb2: {  	[tilespmem:s0], [sflag:$0x8] =	stream.indirect.gather [hbm4b:s4+s17], $0x40, s10, s17, $0xb8;
	[tilespmem:$0x16400] =	vst v63  }
0xb3: {  	_ =	swait.ge [sflag:s2], $0x2000  }
0xb4: {  	[sflag:s2] =	ssyncset.done $0x0  }
0xb5: {  	s16 =	rddreg [dreg:$0x9];
	[sflag:s2] =	ssyncadd.s32 $0xFFFFE000  }
0xb6: {  	[hbm4b:s16+s3] =	stream.linear.scatter [tilespmem:s19], [sflag:$0x9], $0x2000, $0x38;
	[tilespmem:$0x16400] =	vst v63  }
0xb7: {  	s19 =	simm.s32 $0x2  }
0xb8: {  	_ =	swait.ge [sflag:s19], $0x2000  }
0xb9: {  	[sflag:s19] =	ssyncset.done $0x0  }
0xba: {  	s10 =	rddreg [dreg:$0xa];
	[sflag:s19] =	ssyncadd.s32 $0xFFFFE000  }
0xbb: {  	[hbm4b:s10+s3] =	stream.linear.scatter [tilespmem:s21], [sflag:$0xA], $0x2000, $0x38;
	[tilespmem:$0x16400] =	vst v63  }
0xbc: {  	_ =	swait.ge [sflag:s22], $0x2000  }
0xbd: {  	[sflag:s22] =	ssyncset.done $0x0  }
0xbe: {  	s15 =	rddreg [dreg:$0xb];
	[sflag:s22] =	ssyncadd.s32 $0xFFFFE000  }
0xbf: {  	[hbm4b:s15+s3] =	stream.linear.scatter [tilespmem:s23], [sflag:$0xB], $0x2000, $0x38;
	[tilespmem:$0x16400] =	vst v63  }
0xc0: {  	_ =	swait.ge [sflag:s24], $0x2000  }
0xc1: {  	[sflag:s24] =	ssyncset.done $0x0  }
0xc2: {  	s16 =	rddreg [dreg:$0xc];
	[sflag:s24] =	ssyncadd.s32 $0xFFFFE000  }
0xc3: {  	[hbm4b:s16+s3] =	stream.linear.scatter [tilespmem:s25], [sflag:$0xC], $0x2000, $0x38;
	[tilespmem:$0x16400] =	vst v63  }
0xc4: {  	_ =	swait.ge [sflag:s26], $0x2000  }
0xc5: {  	[sflag:s26] =	ssyncset.done $0x0  }
0xc6: {  	s19 =	rddreg [dreg:$0xd];
	[sflag:s26] =	ssyncadd.s32 $0xFFFFE000  }
0xc7: {  	[hbm4b:s19+s3] =	stream.linear.scatter [tilespmem:s28], [sflag:$0xD], $0x2000, $0x38;
	[tilespmem:$0x16400] =	vst v63  }
0xc8: {  	_ =	swait.ge [sflag:s29], $0x2000  }
0xc9: {  	[sflag:s29] =	ssyncset.done $0x0  }
0xca: {  	s21 =	rddreg [dreg:$0xe];
	[sflag:s29] =	ssyncadd.s32 $0xFFFFE000  }
0xcb: {  	[hbm4b:s21+s3] =	stream.linear.scatter [tilespmem:s30], [sflag:$0xE], $0x2000, $0x38;
	[tilespmem:$0x16400] =	vst v63  }
0xcc: {  	_ =	swait.ge [sflag:s31], $0x2000  }
0xcd: {  	[sflag:s31] =	ssyncset.done $0x0  }
0xce: {  	s23 =	rddreg [dreg:$0xf];
	[sflag:s31] =	ssyncadd.s32 $0xFFFFE000  }
0xcf: {  	[hbm4b:s23+s3] =	stream.linear.scatter [tilespmem:s1], [sflag:$0xF], $0x2000, $0x38;
	[tilespmem:$0x16400] =	vst v63  }
0xd0: {  	_ =	swait.ge [sflag:s5], $0x2000  }
0xd1: {  	[sflag:s5] =	ssyncset.done $0x0  }
0xd2: {  	s25 =	rddreg [dreg:$0x10];
	[sflag:s5] =	ssyncadd.s32 $0xFFFFE000  }
0xd3: {  	[hbm4b:s25+s3] =	stream.linear.scatter [tilespmem:s0], [sflag:$0x10], $0x2000, $0x38;
	[tilespmem:$0x16400] =	vst v63  }
0xd4: {  	_ =	swait.ge [sflag:s6], $0x2000  }
0xd5: {  	[sflag:s6] =	ssyncset.done $0x0  }
0xd6: {  	[sflag:s6] =	ssyncadd.s32 $0xFFFFE000  }
0xd7: {  	_ =	swait.ge [sflag:s7], $0x2000  }
0xd8: {  	[sflag:s7] =	ssyncset.done $0x0  }
0xd9: {  	[sflag:s7] =	ssyncadd.s32 $0xFFFFE000  }
0xda: {  	_ =	swait.ge [sflag:s8], $0x2000  }
0xdb: {  	[sflag:s8] =	ssyncset.done $0x0  }
0xdc: {  	[sflag:s8] =	ssyncadd.s32 $0xFFFFE000  }
0xdd: {  	_ =	swait.ge [sflag:s9], $0x2000  }
0xde: {  	[sflag:s9] =	ssyncset.done $0x0  }
0xdf: {  	[sflag:s9] =	ssyncadd.s32 $0xFFFFE000  }
0xe0: {  	_ =	swait.ge [sflag:s11], $0x2000  }
0xe1: {  	[sflag:s11] =	ssyncset.done $0x0  }
0xe2: {  	[sflag:s11] =	ssyncadd.s32 $0xFFFFE000  }
0xe3: {  	_ =	swait.ge [sflag:s12], $0x2000  }
0xe4: {  	[sflag:s12] =	ssyncset.done $0x0  }
0xe5: {  	[sflag:s12] =	ssyncadd.s32 $0xFFFFE000  }
0xe6: {  	_ =	swait.ge [sflag:s13], $0x2000  }
0xe7: {  	[sflag:s13] =	ssyncset.done $0x0  }
0xe8: {  	[sflag:s13] =	ssyncadd.s32 $0xFFFFE000  }
0xe9: {  	_ =	swait.ge [sflag:s14], $0x2000  }
0xea: {  	s28 =	rddreg [dreg:$0x12]  }
0xeb: {  	s30 =	rddreg [dreg:$0x11];
	s0 =	sadd.s32 $0x1, s28  }
0xec: {  	p0 =	sne.s32 s0, s30  }
.Ltmp1:
0xed: {  	_ = 	snop;
	(pc) =	sbr.rel @p0 .LBB2_1-.Ltmp1, $3  }
0xee: {  	_ =	sdelay $0x1  }
0xef: {  	[sflag:s14] =	ssyncset.done $0x0  }
0xf0: {  	[sflag:s14] =	ssyncadd.s32 $0xFFFFE000  }
0xf1: {  	_ =	sfence.sel $0x180000  }
0xf2: {  	[bflag:$0x0] =	sbarrier.arrive $0xFFFF  }
0xf3: {  	_ =	strace $0x90000047  }
0xf4: {  	s0 =	stileid.u32;
	[bflag:$0x2] =	sbarrier.arrive $0xFFFF  }
0xf5: {  	p0 =	sne.s32 s0, $0x0;
	s0 =	rddreg [dreg:$0x3]  }
0xf6: {  	s0 =	sadd.s32 @!p0 $0x100000, s0  }
0xf7: {  	[sflag:s0] =	ssyncadd.tile.s32 @!p0 $0x1;
	_ =	shalt  }
.Lfunc_end2:
_tile_overlayer_lowered:
.L_overlay_start_2:
0xf8: {  	(tag) =	ssettag $0x2  }
0xf9: {  	s0 =	rddreg [dreg:$0x0];
	s2 =	stileid.u32  }
0xfa: {  	s1 =	rddreg [dreg:$0x1];
	p0 =	sne.s32 s2, $0x0  }
0xfb: {  	s3 =	rddreg [dreg:$0x2];
	[bflag:$0x3] =	sbarrier.arrive $0xFFFF;
	s2 =	simm.s32 @!p0 $0x1C11  }
0xfc: {  	[timem:s3], [sflag:s2] =	dma.local @!p0 [hbm:s0], s1  }
0xfd: {  	s0 =	simm.s32 @!p0 $0x11  }
0xfe: {  	_ =	swait.ge @!p0 [sflag:s0], s1  }
0xff: {  	s1 =	ssub.s32 @!p0 $0x0, s1;
	[sflag:s0] =	ssyncset.done @!p0 $0x0  }
0x100: {  	[sflag:s0] =	ssyncadd.s32 @!p0 s1  }
0x101: {  	[bflag:$0x3] =	sbarrier.arrive $0xFFFF  }
0x102: {  	_ =	shalt  }

// kernel: sparse-core-data-format-call.cloned.1.call-start
scs
called_computation_lowered:
.L_overlay_start_0:
0x0: {  	s2 =	sld [smem:$0x3FD9]  }
0x1: {  	s3 =	sld [smem:$0x3FFE];
	_ =	sdelay $0x1  }
0x2: {  	s1 =	srdreg.scid  }
0x3: {  	s0 =	sand.u32 $0x1, s1  }
0x4: {  	s18 =	sshll.u32 s0, $0xA;
	s2 =	sadd.s32 s3, s2  }
0x5: {  	s2 =	sadd.s32 s2, s18  }
0x6: {  	[smem:$0x3FC6] =	sst s2  }
0x7: {  	_ = 	snop  }
0x8: {  	s2 =	sld [smem:$0x3FD0];
	(tm) =	ssettm $0x1  }
0x9: {  	s19 =	sld [smem:$0x3FFB];
	_ =	sdelay $0x3  }
0xa: {  	_ =	strace s19  }
0xb: {  	s3 =	sld [smem:$0x3FFC];
	_ =	sdelay $0x3  }
0xc: {  	_ =	strace s3  }
0xd: {  	s3 =	sld [smem:$0x3FFD];
	_ =	sdelay $0x3  }
0xe: {  	_ =	strace s3  }
0xf: {  	_ =	strace $0x8FFFFFFF  }
0x10: {  	s20 =	sld [smem:$0x3FDB];
	_ =	sdelay $0x1  }
0x11: {  	s4 =	simm.s32 $_scs_section_size  }
0x12: {  	s5 =	simm.s32 $_size__tile_overlayer_lowered;
	s6 =	simm.s32 $_tile_overlayer_lowered  }
0x13: {  	s23 =	simm.s32 $0x1BFF;
	s22 =	sshll.u32 s6, $0x1;
	s3 =	sadd.s32 s4, s20  }
0x14: {  	s7 =	simm.s32 $0x0;
	s21 =	sshll.u32 s5, $0x1;
	s5 =	sadd.s32 s22, s3  }
0x15: {  	[timem:s7], [sflag:s23] =	dma.local [hbm:s5], s21  }
0x16: {  	_ =	swait.ge [sflag:s23], s21  }
0x17: {  	s4 =	ssub.s32 $0x0, s21;
	[sflag:s23] =	ssyncset.done $0x0  }
0x18: {  	[sflag:s23] =	ssyncadd.s32 s4;
	_ =	sdelay $0x1  }
0x19: {  	s24 =	simm.s32 $0x1B8B  }
0x1a: {  	_ =	swait.ge [sflag:s24], $0x1  }
0x1b: {  	[sflag:s24] =	ssyncset.done $0x0  }
0x1c: {  	s26 =	simm.s32 $0x1B8E;
	s25 =	sld [smem:$0x3FFE];
	[sflag:s24] =	ssyncadd.s32 $0xFFFFFFFF  }
0x1d: {  	s27 =	simm.s32 $execute0_lowered;
	[smem:$0x3FD2] =	sst s26  }
0x1e: {  	s5 =	sshll.u32 s27, $0x1;
	_ =	strace $0x80000049;
	[dreg:$0x1] =	wrdreg $0xFFFFFFFF  }
0x1f: {  	s28 =	simm.s32 $_size_execute0_lowered;
	s3 =	sadd.s32 s3, s5;
	[dreg:$0x0] =	wrdreg $0x0  }
0x20: {  	s5 =	sshll.u32 s28, $0x1;
	[dreg:$0x2] =	wrdreg s3  }
0x21: {  	[dreg:$0x3] =	wrdreg s5  }
0x22: {  	[dreg:$0x4] =	wrdreg $0xC0  }
0x23: {  	_ =	task [dreg:s7], $0x5FFFF  }
0x24: {  	[dreg:$0x1] =	wrdreg $0xFFFFFFFF  }
0x25: {  	[dreg:$0x0] =	wrdreg $0x60  }
0x26: {  	[dreg:$0x2] =	wrdreg s25  }
0x27: {  	[dreg:$0x3] =	wrdreg s2  }
0x28: {  	[dreg:$0x4] =	wrdreg $0x9  }
0x29: {  	_ =	task.clear_ibuf [dreg:s7], $0x5FFFF;
	_ =	strace $0x90000049  }
0x2a: {  	s29 =	simm.s32 $0x9;
	_ =	strace $0x8000004B  }
0x2b: {  	_ =	swait.ge [sflag:s29], $0x1  }
0x2c: {  	[sflag:s29] =	ssyncadd.s32 $0xFFFFFFFF  }
0x2d: {  	_ =	strace $0x9000004B  }
0x2e: {  	_ =	sfence  }
0x2f: {  	s30 =	sld [smem:$0x0];
	_ =	sdelay $0x2  }
0x30: {  	s31 =	sshll.u32 s1, $0xD;
	s1 =	sshrl.u32 s1, $0x2  }
0x31: {  	s3 =	sand.u32 $0x4000, s31;
	s1 =	sadd.s32 s1, s30  }
0x32: {  	s0 =	sor.u32 s3, s0;
	s1 =	sshll.u32 s1, $0x11  }
0x33: {  	s0 =	sor.u32 s1, s0  }
0x34: {  	s0 =	sadd.s32 $0x8F2B, s0  }
0x35: {  	[sflag:s0] =	ssyncadd.remote.s32 $0x1  }
0x36: {  	_ =	sfence.sel $0xFFFF  }
0x37: {  	[dreg:$0x0] =	wrdreg $0xFFFFFFFF;
	(pc) =	sbr.abs _section_cstart, $3  }
0x38: {  	[dreg:$0x1] =	wrdreg $0xFFFFFFFF  }
0x39: {  	_ =	task.clear_ibuf [dreg:s7], $0x2FFFF;
	_ =	strace $0x9FFFFFFF  }
0x3a: {  	(tm) =	ssettm $0x7FFFFFFF  }
0x3b: {  	_ =	shalt  }
tec
execute0_lowered:
.L_overlay_start_1:
0x0: {  	(tag) =	ssettag $0x1  }
0x1: {  	s0 =	srdreg.scid  }
0x2: {  	s1 =	sshll.u32 s0, $0x4  }
0x3: {  	s4 =	rddreg [dreg:$0x0];
	s0 =	stileid.u32;
	s1 =	sand.u32 $0x10, s1  }
0x4: {  	s2 =	rddreg [dreg:$0x1];
	s7 =	simm.s32 $0x1;
	s1 =	sor.u32 s0, s1  }
0x5: {  	s8 =	simm.s32 $0x2;
	s11 =	simm.s32 $0x0;
	s3 =	sshll.u32 s1, $0x1  }
0x6: {  	s10 =	simm.s32 $0x0;
	s4 =	sadd.s32 $0x800, s4;
	s6 =	ssub.s32 $0x1900, s3  }
.Ltmp0:
0x7: {  	s1 =	rddreg [dreg:$0x2];
	s5 =	sand.u32 $0x3E, s6;
	(pc) =	sbr.rel .LBB1_1-.Ltmp0, $4  }
0x8: {  	_ =	strace $0x8000004A;
	s9 =	smov.u32 s3;
	p0 =	sne.s32 s5, $0x0  }
0x9: {  	s6 =	sshrl.u32 s6, $0x6;
	s5 =	simm.s32 $0x1;
	s7 =	simm.s32 @!p0 $0x0  }
0xa: {  	[sflag:s5] =	ssyncpa.u1 $0x0;
	p0 =	por $0x0, $0x0;
	s6 =	sadd.s32 s7, s6  }
0xb: {  	[sflag:s8] =	ssyncpa.u1 $0x0;
	s8 =	simm.s32 $0x0;
	s7 =	sadd.s32 $0x1, s6  }
.LBB1_7:
0xc: {  	s13 =	sadd.s32 $0x40, s9  }
0xd: {  	p2 =	sgt.s32 s13, $0x18FF  }
0xe: {  	s13 =	smov.u32 @p2 s3;
	p2 =	sne.s32 s10, s7  }
.Ltmp1:
0xf: {  	p1 =	slt.u32 s10, $0x2;
	(pc) =	sbr.rel @!p2 .LBB1_8-.Ltmp1, $4  }
0x10: {  	s12 =	simm.s32 @!p1 $0x2  }
0x11: {  	s14 =	sadd.s32 $0x1, s10;
	_ =	swait.ge @!p1 [sflag:s12], $0x4000  }
0x12: {  	s11 =	smov.u32 s9;
	p0 =	por !p0, !p0;
	[sflag:s12] =	ssyncset.done @!p1 $0x0  }
0x13: {  	s10 =	smov.u32 s14;
	s9 =	smov.u32 s13;
	[sflag:s12] =	ssyncadd.s32 @!p1 $0xFFFFC000  }
.LBB1_1:
0x14: {  	p1 =	sge.u32 s10, s6  }
0x15: {  	s31 =	sadd.s32 $0xFFFFFFFF, s10;
	s12 =	sxor.u32 @!p1 $0xFFFFFFFF, s10  }
0x16: {  	s13 =	sshll.u32 @!p1 s9, $0xB;
	s14 =	simm.s32 @!p1 $0x40;
	s12 =	sshll.u32 @!p1 s12, $0xE  }
0x17: {  	s15 =	simm.s32 @!p1 $0x80;
	s13 =	sadd.s32 @!p1 s4, s13;
	s12 =	sand.u32 @!p1 $0x4000, s12  }
0x18: {  	[tilespmem:s12], [sflag:$0x1] =	stream.strided.gather @!p1 [hbm4b:s13+s14], $0x4000, s15, s14, $0x38;
	[tilespmem:$0x10100] =	vst v63  }
0x19: {  	p1 =	sge.u32 s31, s6  }
.Ltmp2:
0x1a: {  	_ = 	snop;
	(pc) =	sbr.rel @p1 .LBB1_7-.Ltmp2, $1  }
0x1b: {  	_ =	sdelay $0x3  }
0x1c: {  	s12 =	simm.s32 $0x1;
	s14 =	sand.u32 $0x1, s10  }
0x1d: {  	_ =	swait.ge [sflag:s5], $0x4000;
	s12 =	simm.s32 @!p0 $0x0;
	s14 =	smul.u32 $0x10200, s14  }
0x1e: {  	p2 =	por $0x1, $0x1;
	[sflag:s5] =	ssyncset.done $0x0;
	s13 =	smul.u32 $0x10200, s12  }
0x1f: {  	s15 =	sshll.u32 s12, $0x10;
	[sflag:s5] =	ssyncadd.s32 $0xFFFFC000;
	s30 =	sshrl.u32 s14, $0x2  }
0x20: {  	s31 =	sshrl.u32 s15, $0x2;
	s15 =	simm.s32 $0x0;
	s13 =	sshrl.u32 s13, $0x2  }
0x21: {  	s12 =	sor.u32 $0x8000, s30;
	s14 =	sadd.s32 $0x20, s31;
	s13 =	sor.u32 $0x8000, s13  }
.LBB1_3:
0x22: {  	s16 =	sshll.u32 s15, $0xD  }
0x23: {  	s16 =	sand.u32 $0x3FFFE000, s16  }
0x24: {  	s18 =	sadd.s32 s16, s14  }
0x25: {  	s31 =	smul.u32 $0x8100, s15;
	v3 =	vld [tilespmem:s18+$0x10]  }
0x26: {  	v1 =	vld [tilespmem:s18+$0xFFFFFFF0]  }
0x27: {  	s15 =	sshra.s32 s31, $0x2;
	v0 =	vld [tilespmem:s18+$0x0]  }
0x28: {  	s15 =	sadd.s32 s15, s13;
	v2 =	vld [tilespmem:s18+$0xFFFFFFE0]  }
0x29: {  	s16 =	sadd.s32 $0x0, s15  }
0x2a: {  	p1 =	por p2, p2;
	s17 =	simm.s32 $0x4;
	s18 =	sadd.s32 $0x40, s18;
	[tilespmem:s16+$0x1830 ss:$0x81] =	vst.msk $0xffff, v3  }
.LBB1_4:
0x2b: {  	v3 =	vld [tilespmem:s18+$0x10];
	p2 =	sne.s32 s17, $0x1FC;
	[tilespmem:s16+$0x810 ss:$0x81] =	vst.msk $0xffff, v1;
	s19 =	smov.u32 s17;
	s17 =	sadd.s32 $0x4, s17  }
.Ltmp3:
0x2c: {  	v1 =	vld [tilespmem:s18+$0xFFFFFFF0];
	[tilespmem:s16+$0x1020 ss:$0x81] =	vst.msk $0xffff, v0;
	(pc) =	sbr.rel @p2 .LBB1_4-.Ltmp3, $4  }
0x2d: {  	v0 =	vld [tilespmem:s18+$0x0];
	[tilespmem:s16+$0x0 ss:$0x81] =	vst.msk $0xffff, v2  }
0x2e: {  	s16 =	sshra.s32 s19, $0x2;
	v2 =	vld [tilespmem:s18+$0xFFFFFFE0]  }
0x2f: {  	s16 =	sadd.s32 s16, s15  }
0x30: {  	s18 =	sadd.s32 $0x40, s18;
	[tilespmem:s16+$0x1830 ss:$0x81] =	vst.msk $0xffff, v3  }
.Ltmp4:
0x31: {  	(pc) =	sbr.rel @p1 .LBB1_3-.Ltmp4, $4  }
0x32: {  	_ = 	snop  }
0x33: {  	[tilespmem:s16+$0x810 ss:$0x81] =	vst.msk $0xffff, v1  }
0x34: {  	[tilespmem:s16+$0x1020 ss:$0x81] =	vst.msk $0xffff, v0  }
0x35: {  	s15 =	simm.s32 $0x1;
	p2 =	por $0x0, $0x0;
	[tilespmem:s16+$0x0 ss:$0x81] =	vst.msk $0xffff, v2  }
.Ltmp5:
0x36: {  	(pc) =	sbr.rel .LBB1_7-.Ltmp5, $4  }
0x37: {  	_ = 	snop  }
0x38: {  	s11 =	sshll.u32 s11, $0xA  }
0x39: {  	s11 =	sadd.s32 s2, s11  }
0x3a: {  	[hbm4b:s11+s8] =	stream.linear.scatter [tilespmem:s12], [sflag:$0x2], $0x4000, $0x20;
	[tilespmem:$0x10100] =	vst v63  }
.LBB1_8:
0x3b: {  	_ =	sfence.sel $0x180000  }
0x3c: {  	s2 =	simm.s32 $0x1;
	[bflag:$0x0] =	sbarrier.arrive $0xFFFF  }
0x3d: {  	s31 =	simm.s32 $0x2;
	[sflag:s2] =	ssyncpa.u1 $0x1  }
0x3e: {  	[sflag:s31] =	ssyncpa.u1 $0x1  }
0x3f: {  	p0 =	sne.s32 s0, $0x0;
	_ =	strace $0x9000004A  }
0x40: {  	s0 =	sadd.s32 @!p0 $0x100000, s1;
	[bflag:$0x2] =	sbarrier.arrive $0xFFFF  }
0x41: {  	[sflag:s0] =	ssyncadd.tile.s32 @!p0 $0x1;
	_ =	shalt  }
.Lfunc_end1:
_tile_overlayer_lowered:
.L_overlay_start_2:
0x42: {  	(tag) =	ssettag $0x2  }
0x43: {  	s0 =	rddreg [dreg:$0x0];
	s2 =	stileid.u32  }
0x44: {  	s1 =	rddreg [dreg:$0x1];
	p0 =	sne.s32 s2, $0x0  }
0x45: {  	s3 =	rddreg [dreg:$0x2];
	[bflag:$0x3] =	sbarrier.arrive $0xFFFF;
	s2 =	simm.s32 @!p0 $0x1C01  }
0x46: {  	[timem:s3], [sflag:s2] =	dma.local @!p0 [hbm:s0], s1  }
0x47: {  	s0 =	simm.s32 @!p0 $0x1  }
0x48: {  	_ =	swait.ge @!p0 [sflag:s0], s1  }
0x49: {  	s1 =	ssub.s32 @!p0 $0x0, s1;
	[sflag:s0] =	ssyncset.done @!p0 $0x0  }
0x4a: {  	[sflag:s0] =	ssyncadd.s32 @!p0 s1  }
0x4b: {  	[bflag:$0x3] =	sbarrier.arrive $0xFFFF  }
0x4c: {  	_ =	shalt  }

</sc_bundles>
